<compile_context>
chip_gen: v7x
topology: tpu7x:2x2x1
jax: 0.10.2.dev20260603
libtpu: 0.0.44.dev20260713+nightly
codegen_flags: <defaults>
</compile_context>

<pallas_src>
import functools

import jax
import jax.numpy as jnp
from jax.experimental import pallas as pl

_B = 1024
_T = 25
_BB = 128


def _conv_fold(W, conv_w, conv_b):
    TOUT = conv_w.shape[0]
    GCN_OUT = W.shape[1]
    Wr = W.reshape(TOUT, _T, GCN_OUT)
    a0 = jnp.einsum('c,cto->to', conv_w[:, 0, 0], Wr)
    a1 = jnp.einsum('c,cto->to', conv_w[:, 0, 1], Wr)
    a2 = jnp.einsum('c,cto->to', conv_w[:, 0, 2], Wr)
    W_eff = a1
    W_eff = W_eff.at[: _T - 1].add(a0[1:])
    W_eff = W_eff.at[1:].add(a2[: _T - 1])
    b_eff = jnp.einsum('c,cto->o', conv_b, Wr)
    return W_eff, b_eff


def _graph_operator(edge_index, V):
    src, dst = edge_index[0], edge_index[1]
    deg = jnp.zeros((V,), jnp.float32).at[src].add(1.0)
    dis = jnp.where(deg > 0, 1.0 / jnp.sqrt(jnp.where(deg > 0, deg, 1.0)), 0.0)
    w = -(dis[src] * dis[dst])
    return jnp.zeros((V, V), jnp.float32).at[dst, src].add(w)


def _fold_branch(V, edge_index, conv_w, conv_b, W0, W1, cheb_b, F):
    W0_eff, b0_eff = _conv_fold(W0, conv_w, conv_b)
    W1_eff, b1_eff = _conv_fold(W1, conv_w, conv_b)
    S = _graph_operator(edge_index, V)
    P = jnp.einsum('ds,doh->soh', S, F)
    M = (jnp.einsum('to,voh->vth', W0_eff, F)
         + jnp.einsum('to,voh->vth', W1_eff, P)).reshape(V * _T, F.shape[2])
    rs = jnp.sum(S, axis=1)
    const = (jnp.einsum('o,voh->h', b0_eff + cheb_b, F)
             + jnp.einsum('v,o,voh->h', rs, b1_eff, F))
    return M, const


def _fwd(ecc_ref, err_ref, ehr_ref, me_ref, mr_ref, ew_ref, eb_ref,
         meh_ref, bl_ref, f2_ref, f2b_ref, out_ref):
    h = jnp.maximum(
        jnp.dot(ehr_ref[:], ew_ref[:], preferred_element_type=jnp.float32)
        + eb_ref[:], 0.0)
    lat = (jnp.dot(ecc_ref[:], me_ref[:], preferred_element_type=jnp.float32)
           + jnp.dot(err_ref[:], mr_ref[:], preferred_element_type=jnp.float32)
           + jnp.dot(h, meh_ref[:], preferred_element_type=jnp.float32)
           + bl_ref[:])
    act = jnp.maximum(lat, 0.0)
    o = jnp.sum(act * f2_ref[:], axis=1, keepdims=True) + f2b_ref[0, 0]
    out_ref[:] = jax.nn.sigmoid(o)


@functools.partial(jax.jit, static_argnames=())
def kernel(ecc, err, ehr, edge_index_ecc, edge_index_err,
           conv_ecc_w, conv_ecc_b, conv_err_w, conv_err_b,
           cheb_ecc_W0, cheb_ecc_W1, cheb_ecc_b,
           cheb_err_W0, cheb_err_W1, cheb_err_b,
           ehr_W, ehr_b, fc1_W, fc1_b, fc2_W, fc2_b):
    B, Ve, T = ecc.shape
    Vr = err.shape[1]
    GCN_OUT = cheb_ecc_W0.shape[1]
    HID = fc1_W.shape[1]

    Fe = fc1_W[: Ve * GCN_OUT].reshape(Ve, GCN_OUT, HID)
    Fr = fc1_W[Ve * GCN_OUT: Ve * GCN_OUT + Vr * GCN_OUT].reshape(Vr, GCN_OUT, HID)
    Mehr = fc1_W[Ve * GCN_OUT + Vr * GCN_OUT:]

    Me, ce = _fold_branch(Ve, edge_index_ecc, conv_ecc_w, conv_ecc_b,
                          cheb_ecc_W0, cheb_ecc_W1, cheb_ecc_b, Fe)
    Mr, cr = _fold_branch(Vr, edge_index_err, conv_err_w, conv_err_b,
                          cheb_err_W0, cheb_err_W1, cheb_err_b, Fr)
    bias_lat = (fc1_b + ce + cr)[None, :]

    ecc_r = ecc.reshape(B, Ve * T)
    err_r = err.reshape(B, Vr * T)

    grid = (B // _BB,)
    batch_spec = lambda w: pl.BlockSpec((_BB, w), lambda i: (i, 0))
    full_spec = lambda a: pl.BlockSpec(a.shape, lambda i: (0, 0))

    out = pl.pallas_call(
        _fwd,
        grid=grid,
        in_specs=[
            batch_spec(Ve * T),
            batch_spec(Vr * T),
            batch_spec(ehr.shape[1]),
            full_spec(Me),
            full_spec(Mr),
            full_spec(ehr_W),
            full_spec(ehr_b[None, :]),
            full_spec(Mehr),
            full_spec(bias_lat),
            full_spec(fc2_W.T),
            full_spec(fc2_b[None, :]),
        ],
        out_specs=pl.BlockSpec((_BB, 1), lambda i: (i, 0)),
        out_shape=jax.ShapeDtypeStruct((B, 1), jnp.float32),
    )(ecc_r, err_r, ehr, Me, Mr, ehr_W, ehr_b[None, :], Mehr, bias_lat,
      fc2_W.T, fc2_b[None, :])
    return out

# --- scband reference (transcript-rebuilt; emitter-appended) ---
"""Pipeline reference for scband-dual-stgcn-w-ehr-61065845014840 (READ-ONLY COPY).

The authoritative reference and input builder live on the scoring server;
editing this copy changes nothing except your own understanding.
"""

import jax, jax.numpy as jnp
import numpy as np

B = 1024
V_ECC, V_ERR, T = 16, 12, 25
TOUT, GCN_OUT = 32, 64
EHR_DIM, EHR_OUT, HID = 128, 64, 128
TF = TOUT * T  # 800


def _ring_edges(V):
    src = list(range(V)) + [(i + 1) % V for i in range(V)]
    dst = [(i + 1) % V for i in range(V)] + list(range(V))
    return jnp.array([src, dst], dtype=jnp.int32)


def setup_inputs(seed: int = 0):
    key = jax.random.key(seed)
    ks = jax.random.split(key, 16)
    return {
        'ecc': jax.random.normal(ks[0], (B, V_ECC, T), jnp.float32),
        'err': jax.random.normal(ks[1], (B, V_ERR, T), jnp.float32),
        'ehr': jax.random.normal(ks[2], (B, EHR_DIM), jnp.float32),
        'edge_index_ecc': _ring_edges(V_ECC),
        'edge_index_err': _ring_edges(V_ERR),
        'conv_ecc_w': jax.random.normal(ks[3], (TOUT, 1, 3), jnp.float32) * 0.3,
        'conv_ecc_b': jnp.zeros((TOUT,), jnp.float32),
        'conv_err_w': jax.random.normal(ks[4], (TOUT, 1, 3), jnp.float32) * 0.3,
        'conv_err_b': jnp.zeros((TOUT,), jnp.float32),
        'cheb_ecc_W0': jax.random.normal(ks[5], (TF, GCN_OUT), jnp.float32) * 0.03,
        'cheb_ecc_W1': jax.random.normal(ks[6], (TF, GCN_OUT), jnp.float32) * 0.03,
        'cheb_ecc_b': jnp.zeros((GCN_OUT,), jnp.float32),
        'cheb_err_W0': jax.random.normal(ks[7], (TF, GCN_OUT), jnp.float32) * 0.03,
        'cheb_err_W1': jax.random.normal(ks[8], (TF, GCN_OUT), jnp.float32) * 0.03,
        'cheb_err_b': jnp.zeros((GCN_OUT,), jnp.float32),
        'ehr_W': jax.random.normal(ks[9], (EHR_DIM, EHR_OUT), jnp.float32) * 0.08,
        'ehr_b': jnp.zeros((EHR_OUT,), jnp.float32),
        'fc1_W': jax.random.normal(ks[10], (V_ECC * GCN_OUT + V_ERR * GCN_OUT + EHR_OUT, HID), jnp.float32) * 0.02,
        'fc1_b': jnp.zeros((HID,), jnp.float32),
        'fc2_W': jax.random.normal(ks[11], (HID, 1), jnp.float32) * 0.08,
        'fc2_b': jnp.zeros((1,), jnp.float32),
    }


def _conv1d(x, w, b):
    # x: [N, 1, T], w: [C_out, 1, 3], padding=1 (same)
    y = jax.lax.conv_general_dilated(x, w, window_strides=(1,), padding=[(1, 1)],
                                     dimension_numbers=('NCH', 'OIH', 'NCH'))
    return y + b[None, :, None]


def _cheb(x, edge_index, W0, W1, b):
    # ChebConv K=2 with sym-normalized Laplacian, lambda_max=2.0:
    # Tx_0 = x ; Tx_1 = (L_hat) x = -D^{-1/2} A D^{-1/2} x
    V = x.shape[1]
    src, dst = edge_index[0], edge_index[1]
    deg = jnp.zeros((V,), jnp.float32).at[src].add(jnp.ones(src.shape[0], jnp.float32))
    dis = jnp.where(deg > 0, 1.0 / jnp.sqrt(jnp.where(deg > 0, deg, 1.0)), 0.0)
    w = -(dis[src] * dis[dst])
    msgs = x[:, src, :] * w[None, :, None]            # gather over shared graph, batched
    tx1 = jnp.zeros_like(x).at[:, dst, :].add(msgs)   # scatter-add
    return x @ W0 + tx1 @ W1 + b


def reference(ecc, err, ehr, edge_index_ecc, edge_index_err,
              conv_ecc_w, conv_ecc_b, conv_err_w, conv_err_b,
              cheb_ecc_W0, cheb_ecc_W1, cheb_ecc_b,
              cheb_err_W0, cheb_err_W1, cheb_err_b,
              ehr_W, ehr_b, fc1_W, fc1_b, fc2_W, fc2_b):
    Bx, Ve, Tt = ecc.shape
    e = _conv1d(ecc.reshape(Bx * Ve, 1, Tt), conv_ecc_w, conv_ecc_b).reshape(Bx, Ve, -1)
    ecc_out = _cheb(e, edge_index_ecc, cheb_ecc_W0, cheb_ecc_W1, cheb_ecc_b)
    Vr = err.shape[1]
    r = _conv1d(err.reshape(Bx * Vr, 1, Tt), conv_err_w, conv_err_b).reshape(Bx, Vr, -1)
    err_out = _cheb(r, edge_index_err, cheb_err_W0, cheb_err_W1, cheb_err_b)
    fused = jnp.concatenate([ecc_out.reshape(Bx, -1), err_out.reshape(Bx, -1)], axis=1)
    ehr_p = jax.nn.relu(ehr @ ehr_W + ehr_b)  # dropout = identity at inference
    combined = jnp.concatenate([fused, ehr_p], axis=1)
    latent = combined @ fc1_W + fc1_b
    x = jax.nn.relu(latent)
    out = x @ fc2_W + fc2_b
    return jax.nn.sigmoid(out)

if __name__ == "__main__":
    import jax
    _d = setup_inputs()
    print(jax.jit(kernel)(*tuple(_d.values())))

</pallas_src>

<mosaic_0001>
module attributes {stable_mosaic.version = 14 : i64} {
  func.func @_fwd(%arg0: i32, %arg1: memref<128x400xf32, #tpu.memory_space<vmem>>, %arg2: memref<128x300xf32, #tpu.memory_space<vmem>>, %arg3: memref<128x128xf32, #tpu.memory_space<vmem>>, %arg4: memref<400x128xf32, #tpu.memory_space<vmem>>, %arg5: memref<300x128xf32, #tpu.memory_space<vmem>>, %arg6: memref<128x64xf32, #tpu.memory_space<vmem>>, %arg7: memref<1x64xf32, #tpu.memory_space<vmem>>, %arg8: memref<64x128xf32, #tpu.memory_space<vmem>>, %arg9: memref<1x128xf32, #tpu.memory_space<vmem>>, %arg10: memref<1x128xf32, #tpu.memory_space<vmem>>, %arg11: memref<1x1xf32, #tpu.memory_space<vmem>>, %arg12: memref<128x1xf32, #tpu.memory_space<vmem>>) attributes {dimension_semantics = [#tpu.dimension_semantics<arbitrary>], iteration_bounds = array<i64: 8>, scalar_prefetch = 0 : i64, scratch_operands = 0 : i64, tpu.core_type = #tpu.core_type<tc>, window_params = [{transform_indices = @transform_0, window_bounds = array<i64: 128, 400>}, {transform_indices = @transform_1, window_bounds = array<i64: 128, 300>}, {transform_indices = @transform_2, window_bounds = array<i64: 128, 128>}, {pipeline_mode = #tpu.pipeline_mode<synchronous>, transform_indices = @transform_3, window_bounds = array<i64: 400, 128>}, {pipeline_mode = #tpu.pipeline_mode<synchronous>, transform_indices = @transform_4, window_bounds = array<i64: 300, 128>}, {pipeline_mode = #tpu.pipeline_mode<synchronous>, transform_indices = @transform_5, window_bounds = array<i64: 128, 64>}, {pipeline_mode = #tpu.pipeline_mode<synchronous>, transform_indices = @transform_6, window_bounds = array<i64: 1, 64>}, {pipeline_mode = #tpu.pipeline_mode<synchronous>, transform_indices = @transform_7, window_bounds = array<i64: 64, 128>}, {pipeline_mode = #tpu.pipeline_mode<synchronous>, transform_indices = @transform_8, window_bounds = array<i64: 1, 128>}, {pipeline_mode = #tpu.pipeline_mode<synchronous>, transform_indices = @transform_9, window_bounds = array<i64: 1, 128>}, {pipeline_mode = #tpu.pipeline_mode<synchronous>, transform_indices = @transform_10, window_bounds = array<i64: 1, 1>}, {transform_indices = @transform_11, window_bounds = array<i64: 128, 1>}]} {
    %get3A = arith.constant 0 : index
    %get3A_0 = arith.constant 0 : index
    %get3A_1 = vector.load %arg3[%get3A, %get3A_0] : memref<128x128xf32, #tpu.memory_space<vmem>>, vector<128x128xf32>
    %get3A_2 = arith.constant 0 : index
    %get3A_3 = arith.constant 0 : index
    %get3A_4 = vector.load %arg6[%get3A_2, %get3A_3] : memref<128x64xf32, #tpu.memory_space<vmem>>, vector<128x64xf32>
    %dot_general3A = arith.constant dense<0.000000e+00> : vector<128x64xf32>
    %dot_general3A_5 = tpu.matmul %get3A_1, %get3A_4, %dot_general3A {dimension_numbers = #tpu.dot_dimension_numbers<[1], [0], [0], [1], [0, 0, 1, 1], [], []>, transpose_lhs_hint = false} : vector<128x128xf32>, vector<128x64xf32>, vector<128x64xf32> -> vector<128x64xf32>
    %get3A_6 = arith.constant 0 : index
    %get3A_7 = arith.constant 0 : index
    %get3A_8 = vector.load %arg7[%get3A_6, %get3A_7] : memref<1x64xf32, #tpu.memory_space<vmem>>, vector<1x64xf32>
    %add3A = vector.broadcast %get3A_8 : vector<1x64xf32> to vector<128x64xf32>
    %add3A_9 = arith.addf %dot_general3A_5, %add3A : vector<128x64xf32>
    %max3A = arith.constant 0.000000e+00 : f32
    %max3A_10 = vector.broadcast %max3A : f32 to vector<128x64xf32>
    %max3A_11 = arith.maximumf %add3A_9, %max3A_10 : vector<128x64xf32>
    %get3A_12 = arith.constant 0 : index
    %get3A_13 = arith.constant 0 : index
    %get3A_14 = vector.load %arg1[%get3A_12, %get3A_13] : memref<128x400xf32, #tpu.memory_space<vmem>>, vector<128x400xf32>
    %get3A_15 = arith.constant 0 : index
    %get3A_16 = arith.constant 0 : index
    %get3A_17 = vector.load %arg4[%get3A_15, %get3A_16] : memref<400x128xf32, #tpu.memory_space<vmem>>, vector<400x128xf32>
    %dot_general3A_18 = arith.constant dense<0.000000e+00> : vector<128x128xf32>
    %dot_general3A_19 = tpu.matmul %get3A_14, %get3A_17, %dot_general3A_18 {dimension_numbers = #tpu.dot_dimension_numbers<[1], [0], [0], [1], [0, 0, 1, 1], [], []>, transpose_lhs_hint = false} : vector<128x400xf32>, vector<400x128xf32>, vector<128x128xf32> -> vector<128x128xf32>
    %get3A_20 = arith.constant 0 : index
    %get3A_21 = arith.constant 0 : index
    %get3A_22 = vector.load %arg2[%get3A_20, %get3A_21] : memref<128x300xf32, #tpu.memory_space<vmem>>, vector<128x300xf32>
    %get3A_23 = arith.constant 0 : index
    %get3A_24 = arith.constant 0 : index
    %get3A_25 = vector.load %arg5[%get3A_23, %get3A_24] : memref<300x128xf32, #tpu.memory_space<vmem>>, vector<300x128xf32>
    %dot_general3A_26 = arith.constant dense<0.000000e+00> : vector<128x128xf32>
    %dot_general3A_27 = tpu.matmul %get3A_22, %get3A_25, %dot_general3A_26 {dimension_numbers = #tpu.dot_dimension_numbers<[1], [0], [0], [1], [0, 0, 1, 1], [], []>, transpose_lhs_hint = false} : vector<128x300xf32>, vector<300x128xf32>, vector<128x128xf32> -> vector<128x128xf32>
    %add3A_28 = arith.addf %dot_general3A_19, %dot_general3A_27 : vector<128x128xf32>
    %get3A_29 = arith.constant 0 : index
    %get3A_30 = arith.constant 0 : index
    %get3A_31 = vector.load %arg8[%get3A_29, %get3A_30] : memref<64x128xf32, #tpu.memory_space<vmem>>, vector<64x128xf32>
    %dot_general3A_32 = arith.constant dense<0.000000e+00> : vector<128x128xf32>
    %dot_general3A_33 = tpu.matmul %max3A_11, %get3A_31, %dot_general3A_32 {dimension_numbers = #tpu.dot_dimension_numbers<[1], [0], [0], [1], [0, 0, 1, 1], [], []>, transpose_lhs_hint = false} : vector<128x64xf32>, vector<64x128xf32>, vector<128x128xf32> -> vector<128x128xf32>
    %add3A_34 = arith.addf %add3A_28, %dot_general3A_33 : vector<128x128xf32>
    %get3A_35 = arith.constant 0 : index
    %get3A_36 = arith.constant 0 : index
    %get3A_37 = vector.load %arg9[%get3A_35, %get3A_36] : memref<1x128xf32, #tpu.memory_space<vmem>>, vector<1x128xf32>
    %add3A_38 = vector.broadcast %get3A_37 : vector<1x128xf32> to vector<128x128xf32>
    %add3A_39 = arith.addf %add3A_34, %add3A_38 : vector<128x128xf32>
    %max3A_40 = arith.constant 0.000000e+00 : f32
    %max3A_41 = vector.broadcast %max3A_40 : f32 to vector<128x128xf32>
    %max3A_42 = arith.maximumf %add3A_39, %max3A_41 : vector<128x128xf32>
    %get3A_43 = arith.constant 0 : index
    %get3A_44 = arith.constant 0 : index
    %get3A_45 = vector.load %arg10[%get3A_43, %get3A_44] : memref<1x128xf32, #tpu.memory_space<vmem>>, vector<1x128xf32>
    %mul3A = vector.broadcast %get3A_45 : vector<1x128xf32> to vector<128x128xf32>
    %mul3A_46 = arith.mulf %max3A_42, %mul3A : vector<128x128xf32>
    %reduce_sum3A = arith.constant dense<0.000000e+00> : vector<128xf32>
    %reduce_sum3A_47 = vector.multi_reduction <add>, %mul3A_46, %reduce_sum3A [1] : vector<128x128xf32> to vector<128xf32>
    %broadcast_in_dim3A = vector.shape_cast %reduce_sum3A_47 : vector<128xf32> to vector<128x1xf32>
    %get3A_48 = arith.constant 0 : index
    %get3A_49 = arith.constant 0 : index
    %get3A_50 = vector.load %arg11[%get3A_48, %get3A_49] : memref<1x1xf32, #tpu.memory_space<vmem>>, vector<1x1xf32>
    %get3A_51 = vector.extract %get3A_50[0, 0] : f32 from vector<1x1xf32>
    %add3A_52 = vector.broadcast %get3A_51 : f32 to vector<128x1xf32>
    %add3A_53 = arith.addf %broadcast_in_dim3A, %add3A_52 : vector<128x1xf32>
    %logistic3A = arith.negf %add3A_53 : vector<128x1xf32>
    %logistic3A_54 = math.exp %logistic3A : vector<128x1xf32>
    %logistic3A_55 = arith.constant 1.000000e+00 : f32
    %logistic3A_56 = vector.broadcast %logistic3A_55 : f32 to vector<128x1xf32>
    %logistic3A_57 = arith.addf %logistic3A_56, %logistic3A_54 : vector<128x1xf32>
    %logistic3A_58 = arith.divf %logistic3A_56, %logistic3A_57 : vector<128x1xf32>
    %swap3A = arith.constant 0 : index
    %swap3A_59 = arith.constant 0 : index
    %swap3A_60 = vector.load %arg12[%swap3A, %swap3A_59] : memref<128x1xf32, #tpu.memory_space<vmem>>, vector<128x1xf32>
    tpu.vector_store %arg12[%swap3A, %swap3A_59], %logistic3A_58 {strides = array<i32>} : memref<128x1xf32, #tpu.memory_space<vmem>>, vector<128x1xf32>,
    return
  }
  func.func @transform_0(%arg0: i32) -> (i32, i32) {
    %c0_i32 = arith.constant 0 : i32
    %c0_i32_0 = arith.constant 0 : i32
    return %arg0, %c0_i32 : i32, i32
  }
  func.func @transform_1(%arg0: i32) -> (i32, i32) {
    %c0_i32 = arith.constant 0 : i32
    %c0_i32_0 = arith.constant 0 : i32
    return %arg0, %c0_i32 : i32, i32
  }
  func.func @transform_2(%arg0: i32) -> (i32, i32) {
    %c0_i32 = arith.constant 0 : i32
    %c0_i32_0 = arith.constant 0 : i32
    return %arg0, %c0_i32 : i32, i32
  }
  func.func @transform_3(%arg0: i32) -> (i32, i32) {
    %c0_i32 = arith.constant 0 : i32
    %c0_i32_0 = arith.constant 0 : i32
    %c0_i32_1 = arith.constant 0 : i32
    return %c0_i32, %c0_i32_0 : i32, i32
  }
  func.func @transform_4(%arg0: i32) -> (i32, i32) {
    %c0_i32 = arith.constant 0 : i32
    %c0_i32_0 = arith.constant 0 : i32
    %c0_i32_1 = arith.constant 0 : i32
    return %c0_i32, %c0_i32_0 : i32, i32
  }
  func.func @transform_5(%arg0: i32) -> (i32, i32) {
    %c0_i32 = arith.constant 0 : i32
    %c0_i32_0 = arith.constant 0 : i32
    %c0_i32_1 = arith.constant 0 : i32
    return %c0_i32, %c0_i32_0 : i32, i32
  }
  func.func @transform_6(%arg0: i32) -> (i32, i32) {
    %c0_i32 = arith.constant 0 : i32
    %c0_i32_0 = arith.constant 0 : i32
    %c0_i32_1 = arith.constant 0 : i32
    return %c0_i32, %c0_i32_0 : i32, i32
  }
  func.func @transform_7(%arg0: i32) -> (i32, i32) {
    %c0_i32 = arith.constant 0 : i32
    %c0_i32_0 = arith.constant 0 : i32
    %c0_i32_1 = arith.constant 0 : i32
    return %c0_i32, %c0_i32_0 : i32, i32
  }
  func.func @transform_8(%arg0: i32) -> (i32, i32) {
    %c0_i32 = arith.constant 0 : i32
    %c0_i32_0 = arith.constant 0 : i32
    %c0_i32_1 = arith.constant 0 : i32
    return %c0_i32, %c0_i32_0 : i32, i32
  }
  func.func @transform_9(%arg0: i32) -> (i32, i32) {
    %c0_i32 = arith.constant 0 : i32
    %c0_i32_0 = arith.constant 0 : i32
    %c0_i32_1 = arith.constant 0 : i32
    return %c0_i32, %c0_i32_0 : i32, i32
  }
  func.func @transform_10(%arg0: i32) -> (i32, i32) {
    %c0_i32 = arith.constant 0 : i32
    %c0_i32_0 = arith.constant 0 : i32
    %c0_i32_1 = arith.constant 0 : i32
    return %c0_i32, %c0_i32_0 : i32, i32
  }
  func.func @transform_11(%arg0: i32) -> (i32, i32) {
    %c0_i32 = arith.constant 0 : i32
    %c0_i32_0 = arith.constant 0 : i32
    return %arg0, %c0_i32 : i32, i32
  }
}

</mosaic_0001>

<sc_bundles>
// kernel: scatter_offload_async_start.1
scs
__scs_entry_jumppad:
0x0: {  	(pc) =	sbr.rel $0x88, $3  }
0x1: {  	(tag) =	ssettag $0x0;
	lr =	simm.s32 $0x1  }
0x2: {  	[smem:$0x3F8C] =	sst lr;
	_ =	strace $0xD0000000  }
0x3: {  	_ = 	snop  }
0x4: {  	_ = 	snop  }
0x5: {  	_ = 	snop  }
0x6: {  	_ = 	snop  }
0x7: {  	_ = 	snop  }
__scs_overlays_trampoline_lowered:
0x8: {  	[smem:$0x3F9B] =	sst s0  }
0x9: {  	[smem:$0x3F9C] =	sst s1  }
0xa: {  	[smem:$0x3F9D] =	sst s2  }
0xb: {  	[smem:$0x3F9E] =	sst s3  }
0xc: {  	[smem:$0x3F9F] =	sst s4  }
0xd: {  	[smem:$0x3FA0] =	sst s5  }
0xe: {  	[smem:$0x3FA1] =	sst s6  }
0xf: {  	[smem:$0x3FA2] =	sst s7  }
0x10: {  	[smem:$0x3FA3] =	sst s8  }
0x11: {  	[smem:$0x3FA4] =	sst s9;
	s0 =	simm.s32 @!p0 $0x0  }
0x12: {  	s1 =	sld [smem:$0x3F8A];
	s0 =	simm.s32 @p0 $0x1  }
0x13: {  	[smem:$0x3FA5] =	sst s0;
	s0 =	simm.s32 @!p1 $0x0  }
0x14: {  	s2 =	sld [smem:$0x3F89];
	s0 =	simm.s32 @p1 $0x1  }
0x15: {  	[smem:$0x3FA6] =	sst s0;
	s0 =	simm.s32 @!p2 $0x0  }
0x16: {  	s3 =	sld [smem:$0x3FDB];
	s0 =	simm.s32 @p2 $0x1  }
0x17: {  	s4 =	simm.s32 $0x1BF5;
	[smem:$0x3FA8] =	sst s0  }
0x18: {  	s0 =	sld [smem:$0x3F8B];
	_ =	swait.ge [sflag:s4], $0x0  }
0x19: {  	s7 =	sld [smem:$0x3F8C]  }
0x1a: {  	s8 =	sadd.s32 $0xFFFFE003, lr  }
0x1b: {  	s9 =	sadd.s32 $0xFFFFFEF7, lr;
	s5 =	simm.s32 $0xFFFFFFFF;
	p2 =	slt.u32 s8, $0xFFFFF086  }
0x1c: {  	p1 =	slt.u32 s9, $0xF7A;
	s5 =	simm.s32 @!p2 $0x0  }
0x1d: {  	s5 =	simm.s32 @p1 $0x1;
	p0 =	seq.s32 s7, s2  }
0x1e: {  	s7 =	smul.u32 @!p0 $0xF7A, s2;
	p2 =	seq.s32 @!p0 s5, $0x0  }
0x1f: {  	s9 =	smul.u32 $0xF7A, s1;
	s8 =	simm.s32 @!p0 $0x1BF5;
	p2 =	por !p2, p0  }
0x20: {  	[sflag:s8] =	ssyncset.s32 @!p0 $0xFFFFF086;
	s6 =	sadd.s32 @!p0 s3, s7;
	s7 =	simm.s32 @!p0 $0x108  }
0x21: {  	s3 =	sadd.s32 s3, s9;
	s6 =	sadd.s32 @!p0 $0x88, s6;
	s7 =	simm.s32 @p2 $0x1082  }
0x22: {  	[simem:s7], [sflag:s8] =	dma.local @!p0 [hbm:s6], $0xF7A  }
0x23: {  	s9 =	sor.u32 $0xD0000000, s2;
	s6 =	simm.s32 $0x108;
	_ =	swait.ge @!p0 [sflag:s8], $0x0  }
0x24: {  	s3 =	sadd.s32 $0x88, s3;
	s6 =	simm.s32 @!p1 $0x1082;
	[sflag:s4] =	ssyncset.s32 $0xFFFFF086  }
0x25: {  	[simem:s6], [sflag:s4] =	dma.local [hbm:s3], $0xF7A  }
0x26: {  	[smem:$0x3F8C] =	sst s1;
	(tag) =	ssettag s2;
	_ =	strace s9  }
0x27: {  	s1 =	sld [smem:$0x3F9C]  }
0x28: {  	s2 =	sld [smem:$0x3F9D]  }
0x29: {  	s4 =	sld [smem:$0x3F9F]  }
0x2a: {  	p0 =	seq.s32 s5, $0x0;
	s5 =	sld [smem:$0x3FA0]  }
0x2b: {  	s6 =	sld [smem:$0x3FA1]  }
0x2c: {  	s7 =	sld [smem:$0x3FA2]  }
0x2d: {  	s3 =	simm.s32 $0x108;
	s8 =	sld [smem:$0x3FA3]  }
0x2e: {  	s3 =	simm.s32 @!p0 $0x1082;
	s9 =	sld [smem:$0x3FA4]  }
0x2f: {  	lr =	sadd.s32 s0, s3;
	s0 =	sld [smem:$0x3F9B]  }
0x30: {  	s3 =	sld [smem:$0x3F9E]  }
0x31: {  	[smem:$0x3FA7] =	sst s10  }
0x32: {  	s10 =	sld [smem:$0x3FA5];
	_ =	sdelay $0x3  }
0x33: {  	p0 =	seq.s32 s10, $0x1;
	s10 =	sld [smem:$0x3FA7];
	_ =	sdelay $0x3  }
0x34: {  	[smem:$0x3FA7] =	sst s10  }
0x35: {  	s10 =	sld [smem:$0x3FA6];
	_ =	sdelay $0x3  }
0x36: {  	p1 =	seq.s32 s10, $0x1;
	s10 =	sld [smem:$0x3FA7];
	_ =	sdelay $0x3  }
0x37: {  	[smem:$0x3FA7] =	sst s10  }
0x38: {  	s10 =	sld [smem:$0x3FA8]  }
0x39: {  	_ = 	snop;
	(pc) =	sbr.ind lr, $3  }
0x3a: {  	_ = 	snop  }
0x3b: {  	_ = 	snop  }
0x3c: {  	p2 =	seq.s32 s10, $0x1;
	s10 =	sld [smem:$0x3FA7]  }
0x3d: {  	_ =	shalt  }
0x3e: {  	_ =	shalt  }
0x3f: {  	_ =	shalt  }
0x40: {  	_ =	shalt  }
0x41: {  	_ =	shalt  }
0x42: {  	_ =	shalt  }
0x43: {  	_ =	shalt  }
0x44: {  	_ =	shalt  }
0x45: {  	_ =	shalt  }
0x46: {  	_ =	shalt  }
0x47: {  	_ =	shalt  }
0x48: {  	_ =	shalt  }
0x49: {  	_ =	shalt  }
0x4a: {  	_ =	shalt  }
0x4b: {  	_ =	shalt  }
0x4c: {  	_ =	shalt  }
0x4d: {  	_ =	shalt  }
0x4e: {  	_ =	shalt  }
0x4f: {  	_ =	shalt  }
0x50: {  	_ =	shalt  }
0x51: {  	_ =	shalt  }
0x52: {  	_ =	shalt  }
0x53: {  	_ =	shalt  }
0x54: {  	_ =	shalt  }
0x55: {  	_ =	shalt  }
0x56: {  	_ =	shalt  }
0x57: {  	_ =	shalt  }
0x58: {  	_ =	shalt  }
0x59: {  	_ =	shalt  }
0x5a: {  	_ =	shalt  }
0x5b: {  	_ =	shalt  }
0x5c: {  	_ =	shalt  }
0x5d: {  	_ =	shalt  }
0x5e: {  	_ =	shalt  }
0x5f: {  	_ =	shalt  }
0x60: {  	_ =	shalt  }
0x61: {  	_ =	shalt  }
0x62: {  	_ =	shalt  }
0x63: {  	_ =	shalt  }
0x64: {  	_ =	shalt  }
0x65: {  	_ =	shalt  }
0x66: {  	_ =	shalt  }
0x67: {  	_ =	shalt  }
0x68: {  	_ =	shalt  }
0x69: {  	_ =	shalt  }
0x6a: {  	_ =	shalt  }
0x6b: {  	_ =	shalt  }
0x6c: {  	_ =	shalt  }
0x6d: {  	_ =	shalt  }
0x6e: {  	_ =	shalt  }
0x6f: {  	_ =	shalt  }
0x70: {  	_ =	shalt  }
0x71: {  	_ =	shalt  }
0x72: {  	_ =	shalt  }
0x73: {  	_ =	shalt  }
0x74: {  	_ =	shalt  }
0x75: {  	_ =	shalt  }
0x76: {  	_ =	shalt  }
0x77: {  	_ =	shalt  }
0x78: {  	_ =	shalt  }
0x79: {  	_ =	shalt  }
0x7a: {  	_ =	shalt  }
0x7b: {  	_ =	shalt  }
0x7c: {  	_ =	shalt  }
0x7d: {  	_ =	shalt  }
0x7e: {  	_ =	shalt  }
0x7f: {  	_ =	shalt  }
0x80: {  	_ =	shalt  }
0x81: {  	_ =	shalt  }
0x82: {  	_ =	shalt  }
0x83: {  	_ =	shalt  }
0x84: {  	_ =	shalt  }
0x85: {  	_ =	shalt  }
0x86: {  	_ =	shalt  }
0x87: {  	_ =	shalt  }
.Lfunc_end0:
.L_simem_size_0:
called_computation.1_lowered:
.L_overlay_start_0:
0x88: {  	s0 =	sld [smem:$0x3FD9]  }
0x89: {  	s1 =	sld [smem:$0x3FFE];
	_ =	sdelay $0x3  }
0x8a: {  	s0 =	sadd.s32 s1, s0  }
0x8b: {  	[smem:$0x3FB3] =	sst s0  }
0x8c: {  	_ = 	snop  }
0x8d: {  	s0 =	sld [smem:$0x3FD0];
	(tm) =	ssettm $0x1  }
0x8e: {  	s16 =	sld [smem:$0x3FFB];
	_ =	sdelay $0x3  }
0x8f: {  	_ =	strace s16  }
0x90: {  	s1 =	sld [smem:$0x3FFC];
	_ =	sdelay $0x3  }
0x91: {  	_ =	strace s1  }
0x92: {  	s1 =	sld [smem:$0x3FFD];
	_ =	sdelay $0x3  }
0x93: {  	_ =	strace s1  }
0x94: {  	_ =	strace $0x8FFFFFFF  }
0x95: {  	s17 =	sld [smem:$0x3FDB];
	_ =	sdelay $0x1  }
0x96: {  	s2 =	simm.s32 $_scs_section_size  }
0x97: {  	s3 =	simm.s32 $_size__tile_overlayer_lowered;
	s4 =	simm.s32 $_tile_overlayer_lowered  }
0x98: {  	s20 =	simm.s32 $0x1BFF;
	s19 =	sshll.u32 s4, $0x1;
	s1 =	sadd.s32 s2, s17  }
0x99: {  	s5 =	simm.s32 $0x0;
	s18 =	sshll.u32 s3, $0x1;
	s3 =	sadd.s32 s19, s1  }
0x9a: {  	[timem:s5], [sflag:s20] =	dma.local [hbm:s3], s18  }
0x9b: {  	_ =	swait.ge [sflag:s20], s18  }
0x9c: {  	s2 =	ssub.s32 $0x0, s18;
	[sflag:s20] =	ssyncset.done $0x0  }
0x9d: {  	[sflag:s20] =	ssyncadd.s32 s2;
	_ =	sdelay $0x1  }
0x9e: {  	s21 =	simm.s32 $0x1B8B  }
0x9f: {  	_ =	swait.ge [sflag:s21], $0x1  }
0xa0: {  	[sflag:s21] =	ssyncset.done $0x0  }
0xa1: {  	s23 =	simm.s32 $0x1B8E;
	s22 =	sld [smem:$0x3FFE];
	[sflag:s21] =	ssyncadd.s32 $0xFFFFFFFF  }
0xa2: {  	s24 =	simm.s32 $execute0_lowered;
	[smem:$0x3FD2] =	sst s23  }
0xa3: {  	s3 =	sshll.u32 s24, $0x1;
	_ =	strace $0x80000049;
	[dreg:$0x1] =	wrdreg $0xFFFFFFFF  }
0xa4: {  	s25 =	simm.s32 $_size_execute0_lowered;
	s1 =	sadd.s32 s1, s3;
	[dreg:$0x0] =	wrdreg $0x0  }
0xa5: {  	s3 =	sshll.u32 s25, $0x1;
	[dreg:$0x2] =	wrdreg s1  }
0xa6: {  	[dreg:$0x3] =	wrdreg s3  }
0xa7: {  	[dreg:$0x4] =	wrdreg $0xC0  }
0xa8: {  	_ =	task [dreg:s5], $0x5FFFF  }
0xa9: {  	[dreg:$0x1] =	wrdreg $0xFFFFFFFF  }
0xaa: {  	[dreg:$0x0] =	wrdreg $0x60  }
0xab: {  	[dreg:$0x2] =	wrdreg s22  }
0xac: {  	[dreg:$0x3] =	wrdreg s0  }
0xad: {  	[dreg:$0x4] =	wrdreg $0x9  }
0xae: {  	_ =	task.clear_ibuf [dreg:s5], $0x5FFFF;
	_ =	strace $0x90000049  }
0xaf: {  	s26 =	simm.s32 $0x9;
	_ =	strace $0x8000004B  }
0xb0: {  	_ =	swait.ge [sflag:s26], $0x1  }
0xb1: {  	[sflag:s26] =	ssyncadd.s32 $0xFFFFFFFF  }
0xb2: {  	_ =	strace $0x9000004B  }
0xb3: {  	_ =	sfence  }
0xb4: {  	s28 =	sld [smem:$0x0];
	_ =	sdelay $0x1  }
0xb5: {  	s29 =	srdreg.scid  }
0xb6: {  	s30 =	sshll.u32 s29, $0xD;
	s31 =	sshrl.u32 s29, $0x2  }
0xb7: {  	s2 =	sand.u32 $0x4000, s30;
	s1 =	sand.u32 $0x1, s29;
	s0 =	sadd.s32 s31, s28  }
0xb8: {  	s1 =	sor.u32 s2, s1;
	s0 =	sshll.u32 s0, $0x11  }
0xb9: {  	s0 =	sor.u32 s0, s1  }
0xba: {  	s0 =	sadd.s32 $0x8F2B, s0  }
0xbb: {  	[sflag:s0] =	ssyncadd.remote.s32 $0x1  }
0xbc: {  	_ =	sfence.sel $0xFFFF  }
0xbd: {  	[dreg:$0x0] =	wrdreg $0xFFFFFFFF;
	(pc) =	sbr.abs _section_cstart, $3  }
0xbe: {  	[dreg:$0x1] =	wrdreg $0xFFFFFFFF  }
0xbf: {  	_ =	task.clear_ibuf [dreg:s5], $0x2FFFF;
	_ =	strace $0x9FFFFFFF  }
0xc0: {  	(tm) =	ssettm $0x7FFFFFFF  }
0xc1: {  	_ =	shalt  }
tec
execute0_lowered:
.L_overlay_start_1:
0x0: {  	(tag) =	ssettag $0x1  }
0x1: {  	s3 =	rddreg [dreg:$0x0]  }
0x2: {  	s4 =	rddreg [dreg:$0x1];
	_ =	strace $0x8000004A;
	s1 =	simm.s32 $0x1  }
0x3: {  	v1 =	vimm.s32 $0xFFFFFFFF;
	[sflag:s1] =	ssyncpa.u1 $0x0  }
0x4: {  	[tilespmem:$0x10] =	vst v1  }
0x5: {  	v0 =	vimm.f32 $0.0e+00;
	[tilespmem:$0x20] =	vst v1  }
0x6: {  	[tilespmem:$0x30] =	vst v0  }
0x7: {  	s0 =	stileid.u32;
	s6 =	simm.s32 $0x10;
	s7 =	simm.s32 $0x2;
	[tilespmem:$0x40] =	vst v0  }
0x8: {  	s8 =	simm.s32 $0x8;
	s10 =	simm.s32 $0x9;
	s17 =	simm.s32 $0x100;
	[tilespmem:$0x50] =	vst v0  }
0x9: {  	s18 =	simm.s32 $0xFFFFFFFE;
	s19 =	simm.s32 $0x0;
	s20 =	simm.s32 $0xFFFFFFFF;
	[tilespmem:$0x60] =	vst v1  }
0xa: {  	s21 =	simm.s32 $0xF;
	s22 =	simm.s32 $0x30;
	s23 =	simm.s32 $0x0;
	[tilespmem:$0x70] =	vst v1  }
0xb: {  	s26 =	simm.s32 $0x0;
	s31 =	smin.u32 s0, $0x2;
	p0 =	slt.u32 s0, $0x2;
	[tilespmem:$0x80] =	vst v1  }
0xc: {  	s24 =	simm.s32 $0x0;
	v1 =	vimm.s32 $0x0;
	s5 =	sshll.u32 s31, $0x4;
	s6 =	simm.s32 @!p0 $0x0;
	[tilespmem:$0xB0] =	vst v0  }
0xd: {  	s1 =	sadd.s32 $0x600, s3;
	s13 =	sshllo.u32 s0, $0x1;
	[tilespmem:$0x90] =	vst v1;
	s6 =	sadd.s32 s6, s5  }
0xe: {  	[tilespmem:$0xA0] =	vst v1;
	[sflag:s7] =	ssyncpa.u1 $0x0;
	s7 =	simm.s32 $0x7;
	s6 =	smin.u32 s6, $0x20  }
.Ltmp0:
0xf: {  	[sflag:s7] =	ssyncpa.u1 $0x0;
	s9 =	ssub.s32 s6, s5;
	(pc) =	sbr.rel .LBB2_1-.Ltmp0, $4  }
0x10: {  	s25 =	smov.u32 s5;
	[sflag:s8] =	ssyncpa.u1 $0x0;
	p0 =	sgt.s32 s9, $0x0  }
0x11: {  	[sflag:s10] =	ssyncpa.u1 $0x0;
	s10 =	sshll.u32 s0, $0x1;
	s9 =	simm.s32 @!p0 $0x0  }
0x12: {  	vm0 =	vmmov $0xffff;
	s12 =	sor.u32 $0x81, s10;
	s14 =	sor.u32 $0x80, s10;
	s9 =	sshrl.u32 s9, $0x4  }
0x13: {  	v2 =	vlaneseq.u32;
	vm1 =	vmxor vm1, vm1;
	vm2 =	vmmov $0x1;
	s11 =	sadd.s32 $0x2, s9;
	s15 =	sadd.s32 $0x3, s9;
	s16 =	sadd.s32 $0x1, s9  }
.LBB2_5:
0x14: {  	p0 =	slt.u32 s24, $0x3  }
0x15: {  	s0 =	simm.s32 @!p0 $0x2  }
0x16: {  	_ =	swait.ge @!p0 [sflag:s0], $0x10  }
0x17: {  	[sflag:s0] =	ssyncset.done @!p0 $0x0  }
0x18: {  	[sflag:s0] =	ssyncadd.s32 @!p0 $0xFFFFFFF0;
	s0 =	simm.s32 @!p0 $0x9  }
0x19: {  	_ =	swait.ge @!p0 [sflag:s0], $0x10  }
0x1a: {  	s2 =	sadd.s32 $0x10, s25;
	s24 =	sadd.s32 $0x1, s24;
	[sflag:s0] =	ssyncset.done @!p0 $0x0  }
0x1b: {  	[sflag:s0] =	ssyncadd.s32 @!p0 $0xFFFFFFF0;
	p0 =	slt.s32 s2, s6;
	s0 =	smov.u32 s5  }
0x1c: {  	s0 =	smov.u32 @p0 s2;
	p0 =	sne.s32 s15, s24  }
.Ltmp1:
0x1d: {  	_ = 	snop;
	(pc) =	sbr.rel @!p0 .LBB2_6-.Ltmp1, $3  }
0x1e: {  	_ =	sdelay $0x1  }
0x1f: {  	s17 =	sadd.s32 $0x10, s17;
	s26 =	smov.u32 s25;
	s18 =	sadd.s32 $0x1, s18  }
0x20: {  	s23 =	sadd.s32 $0x10, s23;
	s20 =	sadd.s32 $0x1, s20;
	s25 =	smov.u32 s0  }
.LBB2_1:
0x21: {  	s28 =	smulhi.u32 $0xAAAAAAAB, s24;
	_ =	sdelay $0x1  }
0x22: {  	s28 =	sshrl.u32 s28, $0x1  }
0x23: {  	s28 =	smul.u32 $0xFFFFFF40, s28  }
0x24: {  	p0 =	sge.u32 s24, s9  }
0x25: {  	s31 =	sadd.s32 $0xFFFFFFFF, s24;
	s29 =	sshrl.u32 @!p0 s25, $0x3;
	s28 =	sshra.s32 @!p0 s28, $0x2  }
0x26: {  	s30 =	sand.u32 @!p0 $0x7, s25;
	s29 =	sadd.s32 @!p0 s4, s29;
	s28 =	sadd.s32 @!p0 s28, s17  }
0x27: {  	[tilespmem:s28], [sflag:$0x7] =	stream.linear.gather @!p0 [hbm4b:s29+s30], $0x10, $0x38;
	[tilespmem:$0x1B0] =	vst v63  }
0x28: {  	p0 =	sge.u32 s31, s9  }
.Ltmp2:
0x29: {  	_ = 	snop;
	(pc) =	sbr.rel @p0 .LBB2_3-.Ltmp2, $1  }
0x2a: {  	_ =	sdelay $0x3  }
0x2b: {  	s28 =	smulhi.u32 $0xAAAAAAAB, s20;
	_ =	sdelay $0x1  }
0x2c: {  	s28 =	sshrl.u32 s28, $0x1  }
0x2d: {  	s28 =	smul.u32 $0xFFFFFF40, s28;
	_ =	sdelay $0x1  }
0x2e: {  	_ =	swait.ge [sflag:s7], $0x10;
	s28 =	sshra.s32 s28, $0x2  }
0x2f: {  	[sflag:s7] =	ssyncset.done $0x0;
	s28 =	sadd.s32 s28, s17  }
0x30: {  	[sflag:s7] =	ssyncadd.s32 $0xFFFFFFF0;
	(ifvalue) =	ssetifvalue $0xFFFFFFFF;
	v3 =	vld.msk [tilespmem:s28+$0xFFFFFFF0 ss:$0x1], $0xffff;
	_ =	sdelay $0x4  }
0x31: {  	v4 =	vshrl.u32 v3, $0x4  }
0x32: {  	vm3 =	veq.s32 v3, $0x80000000;
	v3 =	vshll.u32 v3, $0x7;
	v4 =	vand.u32 $0xF, v4  }
0x33: {  	v3 =	vand.u32 $0x780, v3;
	v4 =	vsel vm3, $0xFFFFFFFF, v4  }
0x34: {  	v3 =	vsel vm3, $0xFFFFFF80, v3;
	v5 =	vand.u32 $0x7F, v4  }
0x35: {  	v6 =	vand.u32 $0xFFFFFC00, v3;
	v4 =	vand.u32 $0xFFFFFC00, v4;
	v3 =	vand.u32 $0x380, v3  }
0x36: {  	p0 =	sne.s32 s24, $0x1;
	v4 =	vadd.s32 v4, v6;
	v3 =	vor.u32 v5, v3  }
0x37: {  	v5 =	vimm.s32 @!p0 $0x0;
	v3 =	vor.u32 v4, v3  }
0x38: {  	v5 =	vperm.xlane @!p0 v3, v5  }
0x39: {  	vm3 =	vlt.u32 v4, $0x800  }
0x3a: {  	s29 =	sand.u32 $0x10, s23;
	v3 =	vnsel vm3, $0xFFFFFFFE, v3;
	vm3 =	vlt.u32 @!p0 v5, $0x800  }
0x3b: {  	[tilespmem:s29+$0x60] =	vst v3;
	v3 =	vnsel @!p0 vm3, $0xFFFFFFFE, v5  }
0x3c: {  	s2 =	sadd.s32 $0xFFFFFFF0, s28;
	[tilespmem:$0x80] =	vst @!p0 v3  }
0x3d: {  	v3 =	vld.msk [tilespmem:s2+$0x0 ss:$0x1], $0xffff;
	_ =	sdelay $0x4  }
0x3e: {  	v60 =	vshrl.u32 v3, $0x4  }
0x3f: {  	vm3 =	veq.s32 v3, $0x80000000;
	v3 =	vshll.u32 v3, $0x7;
	v4 =	vand.u32 $0xF, v60  }
0x40: {  	v3 =	vand.u32 $0x780, v3;
	v4 =	vsel vm3, $0xFFFFFFFF, v4  }
0x41: {  	v3 =	vsel vm3, $0xFFFFFF80, v3;
	v61 =	vand.u32 $0x7F, v4  }
0x42: {  	v62 =	vand.u32 $0xFFFFFC00, v3;
	v4 =	vand.u32 $0xFFFFFC00, v4;
	v3 =	vand.u32 $0x380, v3  }
0x43: {  	v4 =	vadd.s32 v4, v62;
	v3 =	vor.u32 v61, v3  }
0x44: {  	v3 =	vor.u32 v4, v3  }
0x45: {  	(xrf1) =	vunique.msk.u32 $0xffff, v3;
	_ =	sdelay $0xd  }
0x46: {  	v63, _, _ =	vpop (xrf1)  }
0x47: {  	vm4 =	vne.s32 v3, $0xFFFFFFFF;
	vm3 =	veq.s32 v63, v2  }
0x48: {  	vm5 =	vlt.u32 v4, $0x800;
	vm3 =	vmand vm4, vm3  }
0x49: {  	vm3 =	vmand vm5, vm3  }
0x4a: {  	v3 =	vnsel vm3, $0xFFFFFFFF, v3;
	_ =	sdelay $0x1  }
0x4b: {  	s30 =	sadd.s32 $0xFFFFFFF0, s23  }
0x4c: {  	s29 =	sand.u32 $0x10, s30  }
0x4d: {  	s26 =	sshrl.u32 s26, $0x3;
	s30 =	sadd.s32 $0x130, s29;
	(ifvalue) =	ssetifvalue $0xFFFFFFFF  }
0x4e: {  	[tilespmem:s30], [sflag:$0x8] =	stream.indirect_vreg.gather [hbm4b:s1+s19], $0x1, v3, vm0, $0x4038;
	v3 =	vnsel vm5, $0xFFFFFFFE, v3;
	[tilespmem:$0x1B0] =	vst v63  }
0x4f: {  	s26 =	sadd.s32 s3, s26;
	s31 =	sadd.s32 $0x150, s29;
	[tilespmem:s28+$0xFFFFFFF0] =	vst v3  }
0x50: {  	[tilespmem:s31], [sflag:$0x8] =	stream.linear.gather [hbm:s26], $0x10, $0x38;
	[tilespmem:$0x1B0] =	vst v63  }
.LBB2_3:
0x51: {  	p0 =	slt.u32 s24, $0x2  }
0x52: {  	p1 =	sge.u32 @!p0 s24, s11  }
0x53: {  	p0 =	por p0, p1  }
.Ltmp3:
0x54: {  	_ = 	snop;
	(pc) =	sbr.rel @p0 .LBB2_5-.Ltmp3, $1  }
0x55: {  	_ =	sdelay $0x3  }
0x56: {  	s26 =	smulhi.u32 $0xAAAAAAAB, s18;
	_ =	sdelay $0x1  }
0x57: {  	s26 =	sshrl.u32 s26, $0x1  }
0x58: {  	s26 =	smul.u32 $0xC0, s26;
	_ =	sdelay $0x1  }
0x59: {  	p0 =	sne.s32 s16, s24;
	s30 =	ssub.s32 $0xFFFFFF80, s26  }
0x5a: {  	_ =	swait.ge [sflag:s8], $0x20;
	s26 =	sshra.s32 @!p0 s30, $0x2  }
0x5b: {  	[sflag:s8] =	ssyncset.done $0x0;
	s26 =	sadd.s32 @!p0 s26, s17  }
0x5c: {  	s28 =	simm.s32 @!p0 $0x1;
	[sflag:s8] =	ssyncadd.s32 $0xFFFFFFE0;
	s26 =	sadd.s32 @!p0 $0xF, s26  }
0x5d: {  	[spmem:s12] =	stream.linear.scatter @!p0 [tilespmem:s26], [sflag:$0x1], $0x1, $0x38;
	[tilespmem:$0x1B0] =	vst v63  }
0x5e: {  	_ =	swait.ge @!p0 [sflag:s28], $0x1  }
0x5f: {  	[sflag:s28] =	ssyncset.done @!p0 $0x0  }
0x60: {  	s26 =	sand.u32 $0x10, s23;
	[sflag:s28] =	ssyncadd.s32 @!p0 $0xFFFFFFFF  }
0x61: {  	s31 =	sxor.u32 $0x10, s26;
	v3 =	vld [tilespmem:s26+$0x10]  }
0x62: {  	v4 =	vld [tilespmem:s31+$0x60]  }
0x63: {  	v5 =	vld [tilespmem:$0x80];
	_ =	sdelay $0x2  }
0x64: {  	(v2sf) =	vpush v3, $0x0  }
0x65: {  	(v2sf) =	vpush v4, $0x0  }
0x66: {  	(v2sf) =	vpush v5, $0x0;
	_ =	sdelay $0xc  }
0x67: {  	s0 =	spop (v2sf)  }
0x68: {  	s2 =	spop (v2sf)  }
0x69: {  	s29 =	spop (v2sf)  }
0x6a: {  	p1 =	seq.s32 s0, s2;
	p2 =	seq.s32 s29, s0  }
0x6b: {  	p2 =	por p1, p2  }
0x6c: {  	v3 =	vpsel p2, $0xFFFFFFFF, v3  }
0x6d: {  	v56 =	vld [tilespmem:s26+$0x150];
	[tilespmem:s26+$0x10] =	vst.msk $0x1, v3  }
0x6e: {  	v3 =	vld [tilespmem:$0x30]  }
0x6f: {  	v6 =	vld [tilespmem:s26+$0x40];
	_ =	sdelay $0x3  }
0x70: {  	vm3 =	vmmov vm1;
	v4 =	vadd.f32 v56, v3  }
0x71: {  	vm4 =	vmmov vm2;
	vm3 =	vmmov @p1 vm2;
	v3 =	vadd.f32 v6, v3  }
0x72: {  	vm4 =	vmmov @p2 vm1;
	[tilespmem:s26+$0x150] =	vst.msk vm3, v4  }
0x73: {  	[tilespmem:s26+$0x190] =	vst.msk vm4, v3  }
0x74: {  	v3 =	vld [tilespmem:s26+$0x130];
	_ =	sdelay $0x4  }
0x75: {  	v3 =	vshift.insert v3, v0, s21  }
0x76: {  	s2 =	sor.u32 $0x40, s31  }
0x77: {  	[tilespmem:s2+$0x0] =	vst.msk $0x1, v3;
	s2 =	sshra.s32 s30, $0x2  }
0x78: {  	[tilespmem:s26+$0x13F] =	vst.msk $0x1, v0;
	s0 =	sadd.s32 s2, s17  }
0x79: {  	v3 =	vld [tilespmem:s0+$0x0];
	_ =	sdelay $0x4  }
0x7a: {  	v3 =	vshift.insert v3, v1, s21;
	_ =	sdelay $0x1  }
0x7b: {  	[tilespmem:s31+$0x10] =	vst.msk $0x1, v3  }
0x7c: {  	v4 =	vld [tilespmem:s26+$0x150]  }
0x7d: {  	v57 =	vld [tilespmem:s0+$0x0];
	_ =	sdelay $0x3  }
0x7e: {  	v4 =	vadd.f32 $0.0e+00, v4  }
0x7f: {  	vm3 =	vne.s32 v57, $0xFFFFFFFF  }
0x80: {  	(xrf2) =	vadd.seg.scan.f32 vm3, v4;
	_ =	sdelay $0x3  }
0x81: {  	v58 =	vperm.xlane v3, v1  }
0x82: {  	v7 =	vld [tilespmem:s26+$0x130]  }
0x83: {  	vm14 =	veq.s32 v57, v58;
	vm3 =	veq.s32 v57, v5  }
0x84: {  	vm5 =	vgt.u32 v57, $0xFFFFFFFD;
	vm4 =	vmor vm14, vm3  }
0x85: {  	vm4 =	vmor vm4, vm5  }
0x86: {  	v59 =	vsel vm4, $0xFFFFFFFF, v57  }
0x87: {  	v61 =	vsel vm3, $0x0, v7;
	v60, _, _ =	vpop (xrf2)  }
0x88: {  	v6 =	vadd.f32 v60, v61  }
0x89: {  	v62 =	vld [tilespmem:$0xA0]  }
0x8a: {  	s30 =	sadd.s32 $0x170, s26;
	v8 =	vld [tilespmem:$0x90];
	[tilespmem:s26+$0x170] =	vst v6;
	(ifvalue) =	ssetifvalue $0xFFFFFFFF  }
0x8b: {  	[hbm4b:s1+s19] =	stream.indirect_vreg.scatter [tilespmem:s30], [sflag:$0x2], $0x1, v59, vm0, $0x4038;
	[tilespmem:$0x1B0] =	vst v63  }
0x8c: {  	v4 =	vld [tilespmem:s26+$0x170];
	_ =	sdelay $0x4  }
0x8d: {  	v4 =	vshift.insert v4, v0, s21  }
0x8e: {  	vm15 =	veq.s32 v62, $0x1  }
0x8f: {  	vm4 =	vmor vm15, vm3;
	v5 =	vsel vm3, v60, v8;
	[tilespmem:s22+$0x0] =	vst.msk $0x1, v4  }
0x90: {  	v63 =	vsel vm4, $0x1, v1;
	[tilespmem:$0x90] =	vst v5  }
0x91: {  	s0 =	sadd.s32 @!p0 $0x17F, s26;
	[tilespmem:$0xA0] =	vst v63  }
0x92: {  	[spmem:s13] =	stream.linear.scatter @!p0 [tilespmem:s0], [sflag:$0x1], $0x1, $0x38;
	[tilespmem:$0x1B0] =	vst v63  }
0x93: {  	v4 =	vmctz.xlane @!p0 vm4;
	_ =	swait.ge @!p0 [sflag:s28], $0x1  }
0x94: {  	(v2sf) =	vpush @!p0 v3, $0x0  }
0x95: {  	(v2sf) =	vpush @!p0 v4, $0x0;
	_ =	sdelay $0xd  }
0x96: {  	s0 =	spop @!p0 (v2sf)  }
0x97: {  	s2 =	spop @!p0 (v2sf)  }
0x98: {  	p1 =	sne.s32 @!p0 s29, s0;
	p2 =	slt.s32 @!p0 s2, $0xF  }
0x99: {  	[sflag:s28] =	ssyncset.done @!p0 $0x0;
	p1 =	por p1, p0;
	p2 =	por !p2, p0  }
0x9a: {  	[sflag:s28] =	ssyncadd.s32 @!p0 $0xFFFFFFFF;
	v3 =	vimm.s32 @!p1 $0xFFFFFFFF;
	s2 =	simm.s32 @p2 $0xF  }
0x9b: {  	[tilespmem:$0x80] =	vst @!p1 v3;
	s0 =	sadd.s32 @!p0 $0x90, s2  }
0x9c: {  	[spmem:s10] =	stream.linear.scatter @!p0 [tilespmem:s0], [sflag:$0x1], $0x1, $0x38;
	[tilespmem:$0x1B0] =	vst v63  }
0x9d: {  	_ =	swait.ge @!p0 [sflag:s28], $0x1  }
0x9e: {  	[sflag:s28] =	ssyncset.done @!p0 $0x0  }
0x9f: {  	s0 =	simm.s32 @!p0 $0x80;
	[sflag:s28] =	ssyncadd.s32 @!p0 $0xFFFFFFFF  }
0xa0: {  	[spmem:s14] =	stream.linear.scatter @!p0 [tilespmem:s0], [sflag:$0x1], $0x1, $0x38;
	[tilespmem:$0x1B0] =	vst v63  }
0xa1: {  	_ =	swait.ge @!p0 [sflag:s28], $0x1  }
0xa2: {  	[sflag:s28] =	ssyncset.done @!p0 $0x0  }
0xa3: {  	[sflag:s28] =	ssyncadd.s32 @!p0 $0xFFFFFFFF;
	(ifvalue) =	ssetifvalue $0xFFFFFFFF;
	v3 =	vld [tilespmem:s26+$0x10];
	_ =	sdelay $0x3  }
.Ltmp4:
0xa4: {  	_ = 	snop;
	(pc) =	sbr.rel .LBB2_5-.Ltmp4, $3  }
0xa5: {  	_ =	sdelay $0x1  }
0xa6: {  	s31 =	sadd.s32 $0x190, s26;
	(ifvalue) =	ssetifvalue $0xFFFFFFFF  }
0xa7: {  	[hbm4b:s1+s19] =	stream.indirect_vreg.scatter [tilespmem:s31], [sflag:$0x9], $0x1, v3, vm0, $0x4038;
	[tilespmem:$0x1B0] =	vst v63  }
.LBB2_6:
0xa8: {  	_ =	sfence.sel $0x180000  }
0xa9: {  	s0 =	simm.s32 $0x7;
	[bflag:$0x0] =	sbarrier.arrive $0xFFFF  }
0xaa: {  	s26 =	simm.s32 $0x8;
	[sflag:s0] =	ssyncpa.u1 $0x1  }
0xab: {  	s28 =	simm.s32 $0x9;
	[sflag:s26] =	ssyncpa.u1 $0x1  }
0xac: {  	[sflag:s28] =	ssyncpa.u1 $0x1  }
0xad: {  	_ =	sfence.stream.spmem  }
0xae: {  	s29 =	simm.s32 $0x3;
	[bflag:$0x0] =	sbarrier.arrive $0xFFFF  }
0xaf: {  	s30 =	simm.s32 $0x4;
	[sflag:s29] =	ssyncpa.u1 $0x1  }
0xb0: {  	s31 =	simm.s32 $0x3C;
	s2 =	stileid.u32;
	[sflag:s30] =	ssyncpa.u1 $0x1  }
0xb1: {  	p0 =	sne.s32 s2, $0x0;
	[sflag:s31] =	ssyncpa.u1 $0x1  }
0xb2: {  	s0 =	simm.s32 @p0 $0x1;
	_ =	sfence @p0  }
0xb3: {  	[sflag:s0] =	ssyncpa.u1 @p0 $0x1;
	s0 =	simm.s32 @p0 $0x2  }
0xb4: {  	[sflag:s0] =	ssyncpa.u1 @p0 $0x1  }
0xb5: {  	_ =	strace @p0 $0x9000004A  }
0xb6: {  	[bflag:$0x2] =	sbarrier.arrive @p0 $0xFFFF  }
0xb7: {  	_ =	shalt @p0  }
.LBB2_7:
0xb8: {  	_ =	sfence.stream.spmem;
	s0 =	simm.s32 $0x5  }
0xb9: {  	s2 =	simm.s32 $0x80;
	s3 =	simm.s32 $0xC0;
	[sflag:s0] =	ssyncpa.u1 $0x0  }
0xba: {  	[tilespmem:s3], [sflag:$0x5] =	stream.linear.gather [spmem:s2], $0x4, $0x38;
	[tilespmem:$0x1B0] =	vst v63  }
0xbb: {  	s2 =	simm.s32 $0x0;
	s3 =	simm.s32 $0xE0  }
0xbc: {  	[tilespmem:s3], [sflag:$0x5] =	stream.linear.gather [spmem:s2], $0x4, $0x38;
	[tilespmem:$0x1B0] =	vst v63  }
.Ltmp5:
0xbd: {  	_ = 	snop;
	(pc) =	sbr.rel .LBB2_8-.Ltmp5, $4  }
0xbe: {  	_ =	swait.ge [sflag:s0], $0x8  }
0xbf: {  	[sflag:s0] =	ssyncset.done $0x0  }
0xc0: {  	s31 =	simm.s32 $0x6;
	[sflag:s0] =	ssyncadd.s32 $0xFFFFFFF8  }
0xc1: {  	s4 =	simm.s32 $0x0;
	[sflag:s31] =	ssyncpa.u1 $0x0  }
.LBB2_13:
0xc2: {  	p0 =	sgt.u32 s5, $0x7FF  }
0xc3: {  	s0 =	sshrl.u32 @!p0 s5, $0x3  }
0xc4: {  	s5 =	sand.u32 @!p0 $0x7, s5;
	s6 =	simm.s32 @!p0 $0xB0;
	s0 =	sadd.s32 @!p0 s1, s0  }
0xc5: {  	[tilespmem:s6], [sflag:$0x6] =	stream.linear.gather @!p0 [hbm4b:s0+s5], $0x1, $0x38;
	[tilespmem:$0x1B0] =	vst v63  }
0xc6: {  	s0 =	simm.s32 @!p0 $0x6  }
0xc7: {  	_ =	swait.ge @!p0 [sflag:s0], $0x1  }
0xc8: {  	[sflag:s0] =	ssyncset.done @!p0 $0x0  }
0xc9: {  	[sflag:s0] =	ssyncadd.s32 @!p0 $0xFFFFFFFF  }
0xca: {  	v2 =	vmov @!p0 s4;
	v1 =	vld.msk @!p0 [tilespmem:$0xB0], $0x1;
	_ =	sdelay $0x3  }
0xcb: {  	s0 =	simm.s32 @!p0 $0xE0  }
0xcc: {  	[tilespmem:v2+s0+$0x0], v1 =	vst.idx.ret.add.f32.msk @!p0 $0x1, v1  }
0xcd: {  	[tilespmem:s2+$0xC0] =	vst.msk $0x1, v0  }
0xce: {  	v0 =	vld.msk [tilespmem:s4+$0xE0], $0x1;
	_ =	sdelay $0x4  }
0xcf: {  	[tilespmem:s2+$0xE0] =	vst.msk $0x1, v0;
	s2 =	sadd.s32 $0x1, s2  }
.LBB2_15:
0xd0: {  	s4 =	sadd.s32 $0x1, s4  }
0xd1: {  	p0 =	sne.s32 s4, $0x4  }
.Ltmp6:
0xd2: {  	_ = 	snop;
	(pc) =	sbr.rel @!p0 .LBB2_16-.Ltmp6, $1  }
0xd3: {  	_ =	sdelay $0x3  }
.LBB2_8:
0xd4: {  	v0 =	vld.msk [tilespmem:s4+$0xC0], $0x1;
	_ =	sdelay $0x4  }
0xd5: {  	(v2sf) =	vpush v0, $0x0;
	_ =	sdelay $0xe  }
0xd6: {  	s5 =	spop (v2sf)  }
0xd7: {  	p0 =	seq.s32 s5, $0xFFFFFFFF  }
.Ltmp7:
0xd8: {  	_ = 	snop;
	(pc) =	sbr.rel @p0 .LBB2_15-.Ltmp7, $1  }
0xd9: {  	_ =	sdelay $0x3  }
0xda: {  	p0 =	slt.s32 s2, $0x1  }
.Ltmp8:
0xdb: {  	_ = 	snop;
	(pc) =	sbr.rel @p0 .LBB2_13-.Ltmp8, $1  }
0xdc: {  	_ =	sdelay $0x3  }
0xdd: {  	s6 =	simm.s32 $0xC0;
	p0 =	por $0x0, $0x0  }
0xde: {  	v1 =	vld.msk @!p0 [tilespmem:s6+$0x0], $0x1;
	_ =	sdelay $0x4  }
0xdf: {  	(v2sf) =	vpush @!p0 v1, $0x0;
	_ =	sdelay $0xd  }
0xe0: {  	p2 =	sne.s32 s2, $0x1  }
.Ltmp9:
0xe1: {  	s0 =	spop @!p0 (v2sf);
	(pc) =	sbr.rel @!p2 .LBB2_12-.Ltmp9, $4  }
0xe2: {  	p1 =	seq.s32 @!p0 s5, s0  }
0xe3: {  	s7 =	simm.s32 $0x0;
	p1 =	por !p1, p0  }
0xe4: {  	s0 =	simm.s32 $0xFFFFFFFF;
	s7 =	simm.s32 @p1 $0xFFFFFFFF  }
0xe5: {  	s8 =	simm.s32 $0x1;
	s7 =	smov.u32 @p0 s0  }
.LBB2_11:
0xe6: {  	s0 =	smov.u32 s7;
	p0 =	sne.s32 s7, $0xFFFFFFFF  }
0xe7: {  	s6 =	sadd.s32 $0x1, s6;
	s7 =	smov.u32 s8;
	s8 =	sadd.s32 $0x1, s8  }
0xe8: {  	p1 =	sne.s32 s2, s8;
	v1 =	vld.msk @!p0 [tilespmem:s6+$0x0], $0x1;
	_ =	sdelay $0x4  }
0xe9: {  	(v2sf) =	vpush @!p0 v1, $0x0;
	_ =	sdelay $0xe  }
.Ltmp10:
0xea: {  	s9 =	spop @!p0 (v2sf);
	(pc) =	sbr.rel @p1 .LBB2_11-.Ltmp10, $4  }
0xeb: {  	p2 =	seq.s32 @!p0 s5, s9  }
0xec: {  	p2 =	por !p2, p0  }
0xed: {  	s7 =	simm.s32 @p2 $0xFFFFFFFF  }
0xee: {  	s7 =	smov.u32 @p0 s0  }
.LBB2_12:
0xef: {  	p0 =	sne.s32 s7, $0xFFFFFFFF  }
.Ltmp11:
0xf0: {  	_ = 	snop;
	(pc) =	sbr.rel @!p0 .LBB2_13-.Ltmp11, $1  }
0xf1: {  	_ =	sdelay $0x3  }
0xf2: {  	v0 =	vld.msk [tilespmem:s4+$0xE0], $0x1;
	v1 =	vmov s7  }
.Ltmp12:
0xf3: {  	_ = 	snop;
	(pc) =	sbr.rel .LBB2_15-.Ltmp12, $2  }
0xf4: {  	_ =	sdelay $0x2  }
0xf5: {  	[tilespmem:v1+s3+$0x0], v0 =	vst.idx.ret.add.f32.msk $0x1, v0  }
.LBB2_16:
0xf6: {  	p0 =	slt.s32 s2, $0x1  }
.Ltmp13:
0xf7: {  	_ = 	snop;
	(pc) =	sbr.rel @p0 .LBB2_20-.Ltmp13, $3  }
0xf8: {  	_ =	sdelay $0x1  }
0xf9: {  	s0 =	simm.s32 $0x6  }
0xfa: {  	s3 =	simm.s32 $0x0;
	[sflag:s0] =	ssyncpa.u1 $0x1  }
0xfb: {  	s0 =	simm.s32 $0xC0  }
0xfc: {  	v0 =	vld.msk [tilespmem:s0+$0x0], $0x1;
	_ =	sdelay $0x4  }
0xfd: {  	(v2sf) =	vpush v0, $0x0;
	_ =	sdelay $0xd  }
0xfe: {  	s2 =	sadd.s32 $0xFFFFFFFF, s2  }
0xff: {  	p1 =	sne.s32 s2, $0x0;
	s0 =	spop (v2sf)  }
.Ltmp14:
0x100: {  	p0 =	sgt.u32 s0, $0x7FF;
	(pc) =	sbr.rel @!p1 .LBB2_19-.Ltmp14, $4  }
0x101: {  	s4 =	simm.s32 $0xE0;
	s5 =	sshrl.u32 @!p0 s0, $0x3  }
0x102: {  	s6 =	simm.s32 $0x0;
	s0 =	sand.u32 @!p0 $0x7, s0;
	s5 =	sadd.s32 @!p0 s1, s5  }
0x103: {  	[hbm4b:s5+s0] =	stream.linear.scatter @!p0 [tilespmem:s4], [sflag:$0x5], $0x1, $0x38;
	[tilespmem:$0x1B0] =	vst v63  }
0x104: {  	s6 =	simm.s32 @!p0 $0x4;
	s5 =	simm.s32 $0xC1  }
.LBB2_18:
0x105: {  	v0 =	vld.msk [tilespmem:s5+$0x0], $0x1;
	s2 =	sadd.s32 $0xFFFFFFFF, s2;
	s3 =	sadd.s32 s3, s6  }
0x106: {  	p0 =	sne.s32 s2, $0x0;
	_ =	sdelay $0x3  }
0x107: {  	(v2sf) =	vpush v0, $0x0;
	_ =	sdelay $0xe  }
.Ltmp15:
0x108: {  	s0 =	spop (v2sf);
	(pc) =	sbr.rel @p0 .LBB2_18-.Ltmp15, $4  }
0x109: {  	s6 =	simm.s32 $0x0;
	p1 =	sgt.u32 s0, $0x7FF  }
0x10a: {  	s4 =	sadd.s32 $0x1, s4;
	s6 =	simm.s32 @!p1 $0x4;
	s7 =	sshrl.u32 @!p1 s0, $0x3  }
0x10b: {  	s5 =	sadd.s32 $0x1, s5;
	s0 =	sand.u32 @!p1 $0x7, s0;
	s7 =	sadd.s32 @!p1 s1, s7  }
0x10c: {  	[hbm4b:s7+s0] =	stream.linear.scatter @!p1 [tilespmem:s4], [sflag:$0x5], $0x1, $0x38;
	[tilespmem:$0x1B0] =	vst v63  }
.LBB2_19:
0x10d: {  	s0 =	sadd.s32 s3, s6  }
0x10e: {  	s3 =	sshrl.u32 s0, $0x2  }
.LBB2_20:
0x10f: {  	s0 =	simm.s32 $0x5  }
0x110: {  	_ =	swait.ge [sflag:s0], s3  }
0x111: {  	s1 =	ssub.s32 $0x0, s3;
	[sflag:s0] =	ssyncset.done $0x0  }
0x112: {  	[sflag:s0] =	ssyncadd.s32 s1  }
0x113: {  	[sflag:s0] =	ssyncpa.u1 $0x1  }
0x114: {  	s29 =	simm.s32 $0x1;
	_ =	sfence  }
0x115: {  	s30 =	simm.s32 $0x2;
	[sflag:s29] =	ssyncpa.u1 $0x1  }
0x116: {  	[sflag:s30] =	ssyncpa.u1 $0x1  }
0x117: {  	_ =	strace $0x9000004A  }
0x118: {  	[bflag:$0x2] =	sbarrier.arrive $0xFFFF  }
0x119: {  	s31 =	rddreg [dreg:$0x2]  }
0x11a: {  	s0 =	sadd.s32 $0x100000, s31  }
0x11b: {  	[sflag:s0] =	ssyncadd.tile.s32 $0x1;
	_ =	shalt  }
.Lfunc_end2:
_tile_overlayer_lowered:
.L_overlay_start_2:
0x11c: {  	(tag) =	ssettag $0x2  }
0x11d: {  	s0 =	rddreg [dreg:$0x0];
	s2 =	stileid.u32  }
0x11e: {  	s1 =	rddreg [dreg:$0x1];
	p0 =	sne.s32 s2, $0x0  }
0x11f: {  	s3 =	rddreg [dreg:$0x2];
	[bflag:$0x3] =	sbarrier.arrive $0xFFFF;
	s2 =	simm.s32 @!p0 $0x1C01  }
0x120: {  	[timem:s3], [sflag:s2] =	dma.local @!p0 [hbm:s0], s1  }
0x121: {  	s0 =	simm.s32 @!p0 $0x1  }
0x122: {  	_ =	swait.ge @!p0 [sflag:s0], s1  }
0x123: {  	s1 =	ssub.s32 @!p0 $0x0, s1;
	[sflag:s0] =	ssyncset.done @!p0 $0x0  }
0x124: {  	[sflag:s0] =	ssyncadd.s32 @!p0 s1  }
0x125: {  	[bflag:$0x3] =	sbarrier.arrive $0xFFFF  }
0x126: {  	_ =	shalt  }

// kernel: scatter_offload_async_start
scs
__scs_entry_jumppad:
0x0: {  	(pc) =	sbr.rel $0x88, $3  }
0x1: {  	(tag) =	ssettag $0x0;
	lr =	simm.s32 $0x1  }
0x2: {  	[smem:$0x3F8C] =	sst lr;
	_ =	strace $0xD0000000  }
0x3: {  	_ = 	snop  }
0x4: {  	_ = 	snop  }
0x5: {  	_ = 	snop  }
0x6: {  	_ = 	snop  }
0x7: {  	_ = 	snop  }
__scs_overlays_trampoline_lowered:
0x8: {  	[smem:$0x3F9B] =	sst s0  }
0x9: {  	[smem:$0x3F9C] =	sst s1  }
0xa: {  	[smem:$0x3F9D] =	sst s2  }
0xb: {  	[smem:$0x3F9E] =	sst s3  }
0xc: {  	[smem:$0x3F9F] =	sst s4  }
0xd: {  	[smem:$0x3FA0] =	sst s5  }
0xe: {  	[smem:$0x3FA1] =	sst s6  }
0xf: {  	[smem:$0x3FA2] =	sst s7  }
0x10: {  	[smem:$0x3FA3] =	sst s8  }
0x11: {  	[smem:$0x3FA4] =	sst s9;
	s0 =	simm.s32 @!p0 $0x0  }
0x12: {  	s1 =	sld [smem:$0x3F8A];
	s0 =	simm.s32 @p0 $0x1  }
0x13: {  	[smem:$0x3FA5] =	sst s0;
	s0 =	simm.s32 @!p1 $0x0  }
0x14: {  	s2 =	sld [smem:$0x3F89];
	s0 =	simm.s32 @p1 $0x1  }
0x15: {  	[smem:$0x3FA6] =	sst s0;
	s0 =	simm.s32 @!p2 $0x0  }
0x16: {  	s3 =	sld [smem:$0x3FDB];
	s0 =	simm.s32 @p2 $0x1  }
0x17: {  	s4 =	simm.s32 $0x1BF5;
	[smem:$0x3FA8] =	sst s0  }
0x18: {  	s0 =	sld [smem:$0x3F8B];
	_ =	swait.ge [sflag:s4], $0x0  }
0x19: {  	s7 =	sld [smem:$0x3F8C]  }
0x1a: {  	s8 =	sadd.s32 $0xFFFFE003, lr  }
0x1b: {  	s9 =	sadd.s32 $0xFFFFFEF7, lr;
	s5 =	simm.s32 $0xFFFFFFFF;
	p2 =	slt.u32 s8, $0xFFFFF086  }
0x1c: {  	p1 =	slt.u32 s9, $0xF7A;
	s5 =	simm.s32 @!p2 $0x0  }
0x1d: {  	s5 =	simm.s32 @p1 $0x1;
	p0 =	seq.s32 s7, s2  }
0x1e: {  	s7 =	smul.u32 @!p0 $0xF7A, s2;
	p2 =	seq.s32 @!p0 s5, $0x0  }
0x1f: {  	s9 =	smul.u32 $0xF7A, s1;
	s8 =	simm.s32 @!p0 $0x1BF5;
	p2 =	por !p2, p0  }
0x20: {  	[sflag:s8] =	ssyncset.s32 @!p0 $0xFFFFF086;
	s6 =	sadd.s32 @!p0 s3, s7;
	s7 =	simm.s32 @!p0 $0x108  }
0x21: {  	s3 =	sadd.s32 s3, s9;
	s6 =	sadd.s32 @!p0 $0x88, s6;
	s7 =	simm.s32 @p2 $0x1082  }
0x22: {  	[simem:s7], [sflag:s8] =	dma.local @!p0 [hbm:s6], $0xF7A  }
0x23: {  	s9 =	sor.u32 $0xD0000000, s2;
	s6 =	simm.s32 $0x108;
	_ =	swait.ge @!p0 [sflag:s8], $0x0  }
0x24: {  	s3 =	sadd.s32 $0x88, s3;
	s6 =	simm.s32 @!p1 $0x1082;
	[sflag:s4] =	ssyncset.s32 $0xFFFFF086  }
0x25: {  	[simem:s6], [sflag:s4] =	dma.local [hbm:s3], $0xF7A  }
0x26: {  	[smem:$0x3F8C] =	sst s1;
	(tag) =	ssettag s2;
	_ =	strace s9  }
0x27: {  	s1 =	sld [smem:$0x3F9C]  }
0x28: {  	s2 =	sld [smem:$0x3F9D]  }
0x29: {  	s4 =	sld [smem:$0x3F9F]  }
0x2a: {  	p0 =	seq.s32 s5, $0x0;
	s5 =	sld [smem:$0x3FA0]  }
0x2b: {  	s6 =	sld [smem:$0x3FA1]  }
0x2c: {  	s7 =	sld [smem:$0x3FA2]  }
0x2d: {  	s3 =	simm.s32 $0x108;
	s8 =	sld [smem:$0x3FA3]  }
0x2e: {  	s3 =	simm.s32 @!p0 $0x1082;
	s9 =	sld [smem:$0x3FA4]  }
0x2f: {  	lr =	sadd.s32 s0, s3;
	s0 =	sld [smem:$0x3F9B]  }
0x30: {  	s3 =	sld [smem:$0x3F9E]  }
0x31: {  	[smem:$0x3FA7] =	sst s10  }
0x32: {  	s10 =	sld [smem:$0x3FA5];
	_ =	sdelay $0x3  }
0x33: {  	p0 =	seq.s32 s10, $0x1;
	s10 =	sld [smem:$0x3FA7];
	_ =	sdelay $0x3  }
0x34: {  	[smem:$0x3FA7] =	sst s10  }
0x35: {  	s10 =	sld [smem:$0x3FA6];
	_ =	sdelay $0x3  }
0x36: {  	p1 =	seq.s32 s10, $0x1;
	s10 =	sld [smem:$0x3FA7];
	_ =	sdelay $0x3  }
0x37: {  	[smem:$0x3FA7] =	sst s10  }
0x38: {  	s10 =	sld [smem:$0x3FA8]  }
0x39: {  	_ = 	snop;
	(pc) =	sbr.ind lr, $3  }
0x3a: {  	_ = 	snop  }
0x3b: {  	_ = 	snop  }
0x3c: {  	p2 =	seq.s32 s10, $0x1;
	s10 =	sld [smem:$0x3FA7]  }
0x3d: {  	_ =	shalt  }
0x3e: {  	_ =	shalt  }
0x3f: {  	_ =	shalt  }
0x40: {  	_ =	shalt  }
0x41: {  	_ =	shalt  }
0x42: {  	_ =	shalt  }
0x43: {  	_ =	shalt  }
0x44: {  	_ =	shalt  }
0x45: {  	_ =	shalt  }
0x46: {  	_ =	shalt  }
0x47: {  	_ =	shalt  }
0x48: {  	_ =	shalt  }
0x49: {  	_ =	shalt  }
0x4a: {  	_ =	shalt  }
0x4b: {  	_ =	shalt  }
0x4c: {  	_ =	shalt  }
0x4d: {  	_ =	shalt  }
0x4e: {  	_ =	shalt  }
0x4f: {  	_ =	shalt  }
0x50: {  	_ =	shalt  }
0x51: {  	_ =	shalt  }
0x52: {  	_ =	shalt  }
0x53: {  	_ =	shalt  }
0x54: {  	_ =	shalt  }
0x55: {  	_ =	shalt  }
0x56: {  	_ =	shalt  }
0x57: {  	_ =	shalt  }
0x58: {  	_ =	shalt  }
0x59: {  	_ =	shalt  }
0x5a: {  	_ =	shalt  }
0x5b: {  	_ =	shalt  }
0x5c: {  	_ =	shalt  }
0x5d: {  	_ =	shalt  }
0x5e: {  	_ =	shalt  }
0x5f: {  	_ =	shalt  }
0x60: {  	_ =	shalt  }
0x61: {  	_ =	shalt  }
0x62: {  	_ =	shalt  }
0x63: {  	_ =	shalt  }
0x64: {  	_ =	shalt  }
0x65: {  	_ =	shalt  }
0x66: {  	_ =	shalt  }
0x67: {  	_ =	shalt  }
0x68: {  	_ =	shalt  }
0x69: {  	_ =	shalt  }
0x6a: {  	_ =	shalt  }
0x6b: {  	_ =	shalt  }
0x6c: {  	_ =	shalt  }
0x6d: {  	_ =	shalt  }
0x6e: {  	_ =	shalt  }
0x6f: {  	_ =	shalt  }
0x70: {  	_ =	shalt  }
0x71: {  	_ =	shalt  }
0x72: {  	_ =	shalt  }
0x73: {  	_ =	shalt  }
0x74: {  	_ =	shalt  }
0x75: {  	_ =	shalt  }
0x76: {  	_ =	shalt  }
0x77: {  	_ =	shalt  }
0x78: {  	_ =	shalt  }
0x79: {  	_ =	shalt  }
0x7a: {  	_ =	shalt  }
0x7b: {  	_ =	shalt  }
0x7c: {  	_ =	shalt  }
0x7d: {  	_ =	shalt  }
0x7e: {  	_ =	shalt  }
0x7f: {  	_ =	shalt  }
0x80: {  	_ =	shalt  }
0x81: {  	_ =	shalt  }
0x82: {  	_ =	shalt  }
0x83: {  	_ =	shalt  }
0x84: {  	_ =	shalt  }
0x85: {  	_ =	shalt  }
0x86: {  	_ =	shalt  }
0x87: {  	_ =	shalt  }
.Lfunc_end0:
.L_simem_size_0:
called_computation_lowered:
.L_overlay_start_0:
0x88: {  	s0 =	sld [smem:$0x3FD9]  }
0x89: {  	s1 =	sld [smem:$0x3FFE];
	_ =	sdelay $0x3  }
0x8a: {  	s0 =	sadd.s32 s1, s0  }
0x8b: {  	[smem:$0x3FB3] =	sst s0  }
0x8c: {  	_ = 	snop  }
0x8d: {  	s0 =	sld [smem:$0x3FD0];
	(tm) =	ssettm $0x1  }
0x8e: {  	s16 =	sld [smem:$0x3FFB];
	_ =	sdelay $0x3  }
0x8f: {  	_ =	strace s16  }
0x90: {  	s1 =	sld [smem:$0x3FFC];
	_ =	sdelay $0x3  }
0x91: {  	_ =	strace s1  }
0x92: {  	s1 =	sld [smem:$0x3FFD];
	_ =	sdelay $0x3  }
0x93: {  	_ =	strace s1  }
0x94: {  	_ =	strace $0x8FFFFFFF  }
0x95: {  	s17 =	sld [smem:$0x3FDB];
	_ =	sdelay $0x1  }
0x96: {  	s2 =	simm.s32 $_scs_section_size  }
0x97: {  	s3 =	simm.s32 $_size__tile_overlayer_lowered;
	s4 =	simm.s32 $_tile_overlayer_lowered  }
0x98: {  	s20 =	simm.s32 $0x1BFF;
	s19 =	sshll.u32 s4, $0x1;
	s1 =	sadd.s32 s2, s17  }
0x99: {  	s5 =	simm.s32 $0x0;
	s18 =	sshll.u32 s3, $0x1;
	s3 =	sadd.s32 s19, s1  }
0x9a: {  	[timem:s5], [sflag:s20] =	dma.local [hbm:s3], s18  }
0x9b: {  	_ =	swait.ge [sflag:s20], s18  }
0x9c: {  	s2 =	ssub.s32 $0x0, s18;
	[sflag:s20] =	ssyncset.done $0x0  }
0x9d: {  	[sflag:s20] =	ssyncadd.s32 s2;
	_ =	sdelay $0x1  }
0x9e: {  	s21 =	simm.s32 $0x1B8B  }
0x9f: {  	_ =	swait.ge [sflag:s21], $0x1  }
0xa0: {  	[sflag:s21] =	ssyncset.done $0x0  }
0xa1: {  	s23 =	simm.s32 $0x1B8E;
	s22 =	sld [smem:$0x3FFE];
	[sflag:s21] =	ssyncadd.s32 $0xFFFFFFFF  }
0xa2: {  	s24 =	simm.s32 $execute0_lowered;
	[smem:$0x3FD2] =	sst s23  }
0xa3: {  	s3 =	sshll.u32 s24, $0x1;
	_ =	strace $0x80000046;
	[dreg:$0x1] =	wrdreg $0xFFFFFFFF  }
0xa4: {  	s25 =	simm.s32 $_size_execute0_lowered;
	s1 =	sadd.s32 s1, s3;
	[dreg:$0x0] =	wrdreg $0x0  }
0xa5: {  	s3 =	sshll.u32 s25, $0x1;
	[dreg:$0x2] =	wrdreg s1  }
0xa6: {  	[dreg:$0x3] =	wrdreg s3  }
0xa7: {  	[dreg:$0x4] =	wrdreg $0xC0  }
0xa8: {  	_ =	task [dreg:s5], $0x5FFFF  }
0xa9: {  	[dreg:$0x1] =	wrdreg $0xFFFFFFFF  }
0xaa: {  	[dreg:$0x0] =	wrdreg $0x60  }
0xab: {  	[dreg:$0x2] =	wrdreg s0  }
0xac: {  	[dreg:$0x3] =	wrdreg s22  }
0xad: {  	[dreg:$0x4] =	wrdreg $0x9  }
0xae: {  	_ =	task.clear_ibuf [dreg:s5], $0x5FFFF;
	_ =	strace $0x90000046  }
0xaf: {  	s26 =	simm.s32 $0x9;
	_ =	strace $0x80000048  }
0xb0: {  	_ =	swait.ge [sflag:s26], $0x1  }
0xb1: {  	[sflag:s26] =	ssyncadd.s32 $0xFFFFFFFF  }
0xb2: {  	_ =	strace $0x90000048  }
0xb3: {  	_ =	sfence  }
0xb4: {  	s28 =	sld [smem:$0x0];
	_ =	sdelay $0x1  }
0xb5: {  	s29 =	srdreg.scid  }
0xb6: {  	s30 =	sshll.u32 s29, $0xD;
	s31 =	sshrl.u32 s29, $0x2  }
0xb7: {  	s2 =	sand.u32 $0x4000, s30;
	s1 =	sand.u32 $0x1, s29;
	s0 =	sadd.s32 s31, s28  }
0xb8: {  	s1 =	sor.u32 s2, s1;
	s0 =	sshll.u32 s0, $0x11  }
0xb9: {  	s0 =	sor.u32 s0, s1  }
0xba: {  	s0 =	sadd.s32 $0x8F2B, s0  }
0xbb: {  	[sflag:s0] =	ssyncadd.remote.s32 $0x1  }
0xbc: {  	_ =	sfence.sel $0xFFFF  }
0xbd: {  	[dreg:$0x0] =	wrdreg $0xFFFFFFFF;
	(pc) =	sbr.abs _section_cstart, $3  }
0xbe: {  	[dreg:$0x1] =	wrdreg $0xFFFFFFFF  }
0xbf: {  	_ =	task.clear_ibuf [dreg:s5], $0x2FFFF;
	_ =	strace $0x9FFFFFFF  }
0xc0: {  	(tm) =	ssettm $0x7FFFFFFF  }
0xc1: {  	_ =	shalt  }
tec
execute0_lowered:
.L_overlay_start_1:
0x0: {  	(tag) =	ssettag $0x1  }
0x1: {  	s1 =	rddreg [dreg:$0x0]  }
0x2: {  	s3 =	rddreg [dreg:$0x1];
	_ =	strace $0x80000047;
	s2 =	simm.s32 $0x1  }
0x3: {  	v1 =	vimm.s32 $0xFFFFFFFF;
	[sflag:s2] =	ssyncpa.u1 $0x0  }
0x4: {  	[tilespmem:$0x10] =	vst v1  }
0x5: {  	v0 =	vimm.f32 $0.0e+00;
	[tilespmem:$0x20] =	vst v1  }
0x6: {  	[tilespmem:$0x30] =	vst v0  }
0x7: {  	[tilespmem:$0x40] =	vst v0  }
0x8: {  	s5 =	simm.s32 $0x10;
	s7 =	simm.s32 $0x2;
	s31 =	simm.s32 $0x7;
	[tilespmem:$0x50] =	vst v0  }
0x9: {  	s9 =	simm.s32 $0x9;
	s16 =	simm.s32 $0x100;
	s17 =	simm.s32 $0xFFFFFFFE;
	[tilespmem:$0x60] =	vst v1  }
0xa: {  	s18 =	simm.s32 $0x0;
	s19 =	simm.s32 $0xFFFFFFFF;
	s20 =	simm.s32 $0xF;
	[tilespmem:$0x70] =	vst v1  }
0xb: {  	s21 =	simm.s32 $0x30;
	s22 =	simm.s32 $0x0;
	s2 =	stileid.u32;
	[tilespmem:$0x80] =	vst v1  }
0xc: {  	s25 =	simm.s32 $0x0;
	v1 =	vimm.s32 $0x0;
	s4 =	smin.u32 s2, $0x2;
	p0 =	slt.u32 s2, $0x2;
	[tilespmem:$0xB0] =	vst v0  }
0xd: {  	s23 =	simm.s32 $0x0;
	[tilespmem:$0x90] =	vst v1;
	s4 =	sshll.u32 s4, $0x4;
	s5 =	simm.s32 @!p0 $0x0  }
0xe: {  	s12 =	sshllo.u32 s2, $0x1;
	[tilespmem:$0xA0] =	vst v1;
	[sflag:s7] =	ssyncpa.u1 $0x0;
	s6 =	sadd.s32 s5, s4  }
0xf: {  	s7 =	simm.s32 $0x8;
	s5 =	sadd.s32 $0x200, s3;
	s6 =	smin.u32 s6, $0x20  }
.Ltmp0:
0x10: {  	[sflag:s31] =	ssyncpa.u1 $0x0;
	s8 =	ssub.s32 s6, s4;
	(pc) =	sbr.rel .LBB2_1-.Ltmp0, $4  }
0x11: {  	s24 =	smov.u32 s4;
	[sflag:s7] =	ssyncpa.u1 $0x0;
	p0 =	sgt.s32 s8, $0x0  }
0x12: {  	[sflag:s9] =	ssyncpa.u1 $0x0;
	s9 =	sshll.u32 s2, $0x1;
	s8 =	simm.s32 @!p0 $0x0  }
0x13: {  	s11 =	sor.u32 $0x81, s9;
	s13 =	sor.u32 $0x80, s9;
	s8 =	sshrl.u32 s8, $0x4  }
0x14: {  	vm0 =	vmxor vm0, vm0;
	vm1 =	vmmov $0x1;
	vm2 =	vmmov $0xffff;
	s10 =	sadd.s32 $0x2, s8;
	s14 =	sadd.s32 $0x3, s8;
	s15 =	sadd.s32 $0x1, s8  }
.LBB2_3:
0x15: {  	p0 =	slt.u32 s23, $0x3  }
0x16: {  	s0 =	simm.s32 @!p0 $0x2  }
0x17: {  	_ =	swait.ge @!p0 [sflag:s0], $0x10  }
0x18: {  	[sflag:s0] =	ssyncset.done @!p0 $0x0  }
0x19: {  	[sflag:s0] =	ssyncadd.s32 @!p0 $0xFFFFFFF0;
	s0 =	simm.s32 @!p0 $0x9  }
0x1a: {  	_ =	swait.ge @!p0 [sflag:s0], $0x10  }
0x1b: {  	s25 =	sadd.s32 $0x10, s24;
	s23 =	sadd.s32 $0x1, s23;
	[sflag:s0] =	ssyncset.done @!p0 $0x0  }
0x1c: {  	[sflag:s0] =	ssyncadd.s32 @!p0 $0xFFFFFFF0;
	p0 =	slt.s32 s25, s6;
	s0 =	smov.u32 s4  }
0x1d: {  	s0 =	smov.u32 @p0 s25;
	p0 =	sne.s32 s14, s23  }
.Ltmp1:
0x1e: {  	_ = 	snop;
	(pc) =	sbr.rel @!p0 .LBB2_4-.Ltmp1, $3  }
0x1f: {  	_ =	sdelay $0x1  }
0x20: {  	s16 =	sadd.s32 $0x10, s16;
	s17 =	sadd.s32 $0x1, s17;
	s22 =	sadd.s32 $0x10, s22  }
0x21: {  	s19 =	sadd.s32 $0x1, s19;
	s25 =	smov.u32 s24;
	s24 =	smov.u32 s0  }
.LBB2_1:
0x22: {  	s26 =	smulhi.u32 $0xAAAAAAAB, s23;
	_ =	sdelay $0x1  }
0x23: {  	s26 =	sshrl.u32 s26, $0x1  }
0x24: {  	s26 =	smul.u32 $0xFFFFFF40, s26  }
0x25: {  	p0 =	sge.u32 s23, s8  }
0x26: {  	s30 =	smulhi.u32 $0xAAAAAAAB, s19;
	s28 =	sshrl.u32 @!p0 s24, $0x3;
	s26 =	sshra.s32 @!p0 s26, $0x2  }
0x27: {  	s29 =	sand.u32 @!p0 $0x7, s24;
	s28 =	sadd.s32 @!p0 s3, s28;
	s26 =	sadd.s32 @!p0 s26, s16  }
0x28: {  	[tilespmem:s26], [sflag:$0x7] =	stream.linear.gather @!p0 [hbm4b:s28+s29], $0x10, $0x38;
	[tilespmem:$0x1B0] =	vst v63  }
0x29: {  	s31 =	sadd.s32 $0xFFFFFFFF, s23;
	s26 =	sshrl.u32 s30, $0x1  }
0x2a: {  	p0 =	sge.u32 s31, s8;
	s26 =	smul.u32 $0xFFFFFF40, s26  }
0x2b: {  	s28 =	simm.s32 @!p0 $0x7  }
0x2c: {  	_ =	swait.ge @!p0 [sflag:s28], $0x10;
	s26 =	sshra.s32 @!p0 s26, $0x2  }
0x2d: {  	[sflag:s28] =	ssyncset.done @!p0 $0x0;
	s26 =	sadd.s32 @!p0 s26, s16  }
0x2e: {  	[sflag:s28] =	ssyncadd.s32 @!p0 $0xFFFFFFF0;
	(ifvalue) =	ssetifvalue @!p0 $0xFFFFFFFF;
	v2 =	vld.msk @!p0 [tilespmem:s26+$0xFFFFFFF0 ss:$0x1], $0xffff;
	_ =	sdelay $0x1  }
0x2f: {  	p1 =	sne.s32 @!p0 s23, $0x1  }
0x30: {  	p1 =	por p1, p0  }
0x31: {  	v3 =	vimm.s32 @!p1 $0x0  }
0x32: {  	v3 =	vperm.xlane @!p1 v2, v3  }
0x33: {  	vm3 =	vlt.u32 @!p0 v2, $0x80  }
0x34: {  	s28 =	sand.u32 @!p0 $0x10, s22;
	v2 =	vnsel @!p0 vm3, $0xFFFFFFFE, v2;
	vm3 =	vlt.u32 @!p1 v3, $0x80  }
0x35: {  	[tilespmem:s28+$0x60] =	vst @!p0 v2;
	v2 =	vnsel @!p1 vm3, $0xFFFFFFFE, v3  }
0x36: {  	s28 =	sadd.s32 @!p0 $0xFFFFFFF0, s26;
	[tilespmem:$0x80] =	vst @!p1 v2  }
0x37: {  	v2 =	vld.msk @!p0 [tilespmem:s28+$0x0 ss:$0x1], $0xffff;
	_ =	sdelay $0x4  }
0x38: {  	(xrf1) =	vunique.msk.u32 @!p0 $0xffff, v2;
	_ =	sdelay $0xd  }
0x39: {  	v4 =	vlaneseq.u32 @!p0;
	v3, _, _ =	vpop @!p0 (xrf1)  }
0x3a: {  	vm3 =	vlt.u32 @!p0 v2, $0x80;
	vm4 =	veq.s32 @!p0 v3, v4  }
0x3b: {  	vm4 =	vmand @!p0 vm3, vm4  }
0x3c: {  	v2 =	vnsel @!p0 vm4, $0xFFFFFFFF, v2;
	_ =	sdelay $0x1  }
0x3d: {  	s28 =	sadd.s32 @!p0 $0xFFFFFFF0, s22  }
0x3e: {  	s30 =	simm.s32 @!p0 $0x0;
	s28 =	sand.u32 @!p0 $0x10, s28  }
0x3f: {  	s25 =	sshrl.u32 @!p0 s25, $0x3;
	s29 =	sadd.s32 @!p0 $0x130, s28;
	(ifvalue) =	ssetifvalue @!p0 $0xFFFFFFFF;
	vm4 =	vmmov @!p0 $0xffff  }
0x40: {  	[tilespmem:s29], [sflag:$0x8] =	stream.indirect_vreg.gather @!p0 [hbm4b:s1+s30], $0x1, v2, vm4, $0x4038;
	v2 =	vnsel @!p0 vm3, $0xFFFFFFFE, v2;
	[tilespmem:$0x1B0] =	vst v63  }
0x41: {  	s25 =	sadd.s32 @!p0 s5, s25;
	[tilespmem:s26+$0xFFFFFFF0] =	vst @!p0 v2;
	s26 =	sadd.s32 @!p0 $0x150, s28  }
0x42: {  	[tilespmem:s26], [sflag:$0x8] =	stream.linear.gather @!p0 [hbm:s25], $0x10, $0x38;
	[tilespmem:$0x1B0] =	vst v63  }
0x43: {  	p0 =	slt.u32 s23, $0x2  }
0x44: {  	p1 =	sge.u32 @!p0 s23, s10  }
0x45: {  	p0 =	por p0, p1  }
.Ltmp2:
0x46: {  	_ = 	snop;
	(pc) =	sbr.rel @p0 .LBB2_3-.Ltmp2, $1  }
0x47: {  	_ =	sdelay $0x3  }
0x48: {  	s25 =	smulhi.u32 $0xAAAAAAAB, s17;
	_ =	sdelay $0x1  }
0x49: {  	s25 =	sshrl.u32 s25, $0x1  }
0x4a: {  	s25 =	smul.u32 $0xC0, s25;
	_ =	sdelay $0x1  }
0x4b: {  	p0 =	sne.s32 s15, s23;
	s29 =	ssub.s32 $0xFFFFFF80, s25  }
0x4c: {  	_ =	swait.ge [sflag:s7], $0x20;
	s25 =	sshra.s32 @!p0 s29, $0x2  }
0x4d: {  	[sflag:s7] =	ssyncset.done $0x0;
	s25 =	sadd.s32 @!p0 s25, s16  }
0x4e: {  	s26 =	simm.s32 @!p0 $0x1;
	[sflag:s7] =	ssyncadd.s32 $0xFFFFFFE0;
	s25 =	sadd.s32 @!p0 $0xF, s25  }
0x4f: {  	[spmem:s11] =	stream.linear.scatter @!p0 [tilespmem:s25], [sflag:$0x1], $0x1, $0x38;
	[tilespmem:$0x1B0] =	vst v63  }
0x50: {  	_ =	swait.ge @!p0 [sflag:s26], $0x1  }
0x51: {  	[sflag:s26] =	ssyncset.done @!p0 $0x0  }
0x52: {  	s25 =	sand.u32 $0x10, s22;
	[sflag:s26] =	ssyncadd.s32 @!p0 $0xFFFFFFFF  }
0x53: {  	s30 =	sxor.u32 $0x10, s25;
	v2 =	vld [tilespmem:s25+$0x10]  }
0x54: {  	v3 =	vld [tilespmem:s30+$0x60]  }
0x55: {  	v4 =	vld [tilespmem:$0x80];
	_ =	sdelay $0x2  }
0x56: {  	(v2sf) =	vpush v2, $0x0  }
0x57: {  	(v2sf) =	vpush v3, $0x0  }
0x58: {  	(v2sf) =	vpush v4, $0x0;
	_ =	sdelay $0xc  }
0x59: {  	s31 =	spop (v2sf)  }
0x5a: {  	s0 =	spop (v2sf)  }
0x5b: {  	s28 =	spop (v2sf)  }
0x5c: {  	p1 =	seq.s32 s31, s0;
	p2 =	seq.s32 s28, s31  }
0x5d: {  	p2 =	por p1, p2  }
0x5e: {  	v2 =	vpsel p2, $0xFFFFFFFF, v2  }
0x5f: {  	v3 =	vld [tilespmem:s25+$0x150];
	[tilespmem:s25+$0x10] =	vst.msk $0x1, v2  }
0x60: {  	v2 =	vld [tilespmem:$0x30]  }
0x61: {  	v5 =	vld [tilespmem:s25+$0x40];
	_ =	sdelay $0x3  }
0x62: {  	vm3 =	vmmov vm0;
	v3 =	vadd.f32 v3, v2  }
0x63: {  	vm4 =	vmmov vm1;
	vm3 =	vmmov @p1 vm1;
	v2 =	vadd.f32 v5, v2  }
0x64: {  	vm4 =	vmmov @p2 vm0;
	[tilespmem:s25+$0x150] =	vst.msk vm3, v3  }
0x65: {  	[tilespmem:s25+$0x190] =	vst.msk vm4, v2  }
0x66: {  	v2 =	vld [tilespmem:s25+$0x130];
	_ =	sdelay $0x4  }
0x67: {  	v2 =	vshift.insert v2, v0, s20  }
0x68: {  	s31 =	sor.u32 $0x40, s30  }
0x69: {  	s29 =	sshra.s32 s29, $0x2;
	[tilespmem:s31+$0x0] =	vst.msk $0x1, v2  }
0x6a: {  	s0 =	sadd.s32 s29, s16;
	[tilespmem:s25+$0x13F] =	vst.msk $0x1, v0  }
0x6b: {  	v2 =	vld [tilespmem:s0+$0x0];
	_ =	sdelay $0x4  }
0x6c: {  	v2 =	vshift.insert v2, v1, s20;
	_ =	sdelay $0x1  }
0x6d: {  	[tilespmem:s30+$0x10] =	vst.msk $0x1, v2  }
0x6e: {  	v3 =	vld [tilespmem:s25+$0x150]  }
0x6f: {  	v60 =	vld [tilespmem:s0+$0x0];
	_ =	sdelay $0x3  }
0x70: {  	v3 =	vadd.f32 $0.0e+00, v3  }
0x71: {  	vm3 =	vne.s32 v60, $0xFFFFFFFF  }
0x72: {  	(xrf2) =	vadd.seg.scan.f32 vm3, v3;
	_ =	sdelay $0x3  }
0x73: {  	v3 =	vperm.xlane v2, v1  }
0x74: {  	v6 =	vld [tilespmem:s25+$0x130]  }
0x75: {  	vm3 =	veq.s32 v60, v4;
	vm14 =	veq.s32 v60, v3  }
0x76: {  	vm5 =	vgt.u32 v60, $0xFFFFFFFD;
	vm4 =	vmor vm14, vm3  }
0x77: {  	vm4 =	vmor vm4, vm5  }
0x78: {  	v3 =	vsel vm4, $0xFFFFFFFF, v60  }
0x79: {  	v62 =	vsel vm3, $0x0, v6;
	v61, _, _ =	vpop (xrf2)  }
0x7a: {  	v5 =	vadd.f32 v61, v62  }
0x7b: {  	v63 =	vld [tilespmem:$0xA0]  }
0x7c: {  	s30 =	sadd.s32 $0x170, s25;
	v7 =	vld [tilespmem:$0x90];
	[tilespmem:s25+$0x170] =	vst v5;
	(ifvalue) =	ssetifvalue $0xFFFFFFFF  }
0x7d: {  	[hbm4b:s1+s18] =	stream.indirect_vreg.scatter [tilespmem:s30], [sflag:$0x2], $0x1, v3, vm2, $0x4038;
	[tilespmem:$0x1B0] =	vst v63  }
0x7e: {  	v3 =	vld [tilespmem:s25+$0x170];
	_ =	sdelay $0x4  }
0x7f: {  	v3 =	vshift.insert v3, v0, s20  }
0x80: {  	vm15 =	veq.s32 v63, $0x1  }
0x81: {  	vm4 =	vmor vm15, vm3;
	v4 =	vsel vm3, v61, v7;
	[tilespmem:s21+$0x0] =	vst.msk $0x1, v3  }
0x82: {  	v3 =	vsel vm4, $0x1, v1;
	[tilespmem:$0x90] =	vst v4  }
0x83: {  	s0 =	sadd.s32 @!p0 $0x17F, s25;
	[tilespmem:$0xA0] =	vst v3  }
0x84: {  	[spmem:s12] =	stream.linear.scatter @!p0 [tilespmem:s0], [sflag:$0x1], $0x1, $0x38;
	[tilespmem:$0x1B0] =	vst v63  }
0x85: {  	v3 =	vmctz.xlane @!p0 vm4;
	_ =	swait.ge @!p0 [sflag:s26], $0x1  }
0x86: {  	(v2sf) =	vpush @!p0 v2, $0x0  }
0x87: {  	(v2sf) =	vpush @!p0 v3, $0x0;
	_ =	sdelay $0xd  }
0x88: {  	s0 =	spop @!p0 (v2sf)  }
0x89: {  	s29 =	spop @!p0 (v2sf)  }
0x8a: {  	p1 =	sne.s32 @!p0 s28, s0;
	p2 =	slt.s32 @!p0 s29, $0xF  }
0x8b: {  	[sflag:s26] =	ssyncset.done @!p0 $0x0;
	p1 =	por p1, p0;
	p2 =	por !p2, p0  }
0x8c: {  	[sflag:s26] =	ssyncadd.s32 @!p0 $0xFFFFFFFF;
	v2 =	vimm.s32 @!p1 $0xFFFFFFFF;
	s29 =	simm.s32 @p2 $0xF  }
0x8d: {  	[tilespmem:$0x80] =	vst @!p1 v2;
	s0 =	sadd.s32 @!p0 $0x90, s29  }
0x8e: {  	[spmem:s9] =	stream.linear.scatter @!p0 [tilespmem:s0], [sflag:$0x1], $0x1, $0x38;
	[tilespmem:$0x1B0] =	vst v63  }
0x8f: {  	_ =	swait.ge @!p0 [sflag:s26], $0x1  }
0x90: {  	[sflag:s26] =	ssyncset.done @!p0 $0x0  }
0x91: {  	s0 =	simm.s32 @!p0 $0x80;
	[sflag:s26] =	ssyncadd.s32 @!p0 $0xFFFFFFFF  }
0x92: {  	[spmem:s13] =	stream.linear.scatter @!p0 [tilespmem:s0], [sflag:$0x1], $0x1, $0x38;
	[tilespmem:$0x1B0] =	vst v63  }
0x93: {  	_ =	swait.ge @!p0 [sflag:s26], $0x1  }
0x94: {  	[sflag:s26] =	ssyncset.done @!p0 $0x0  }
0x95: {  	[sflag:s26] =	ssyncadd.s32 @!p0 $0xFFFFFFFF;
	(ifvalue) =	ssetifvalue $0xFFFFFFFF;
	v2 =	vld [tilespmem:s25+$0x10];
	_ =	sdelay $0x3  }
.Ltmp3:
0x96: {  	_ = 	snop;
	(pc) =	sbr.rel .LBB2_3-.Ltmp3, $3  }
0x97: {  	_ =	sdelay $0x1  }
0x98: {  	s31 =	sadd.s32 $0x190, s25;
	(ifvalue) =	ssetifvalue $0xFFFFFFFF  }
0x99: {  	[hbm4b:s1+s18] =	stream.indirect_vreg.scatter [tilespmem:s31], [sflag:$0x9], $0x1, v2, vm2, $0x4038;
	[tilespmem:$0x1B0] =	vst v63  }
.LBB2_4:
0x9a: {  	_ =	sfence.sel $0x180000  }
0x9b: {  	s0 =	simm.s32 $0x7;
	[bflag:$0x0] =	sbarrier.arrive $0xFFFF  }
0x9c: {  	s26 =	simm.s32 $0x8;
	[sflag:s0] =	ssyncpa.u1 $0x1  }
0x9d: {  	s28 =	simm.s32 $0x9;
	[sflag:s26] =	ssyncpa.u1 $0x1  }
0x9e: {  	[sflag:s28] =	ssyncpa.u1 $0x1  }
0x9f: {  	_ =	sfence.stream.spmem  }
0xa0: {  	s29 =	simm.s32 $0x3;
	[bflag:$0x0] =	sbarrier.arrive $0xFFFF  }
0xa1: {  	s30 =	simm.s32 $0x4;
	[sflag:s29] =	ssyncpa.u1 $0x1  }
0xa2: {  	s31 =	simm.s32 $0x3C;
	[sflag:s30] =	ssyncpa.u1 $0x1  }
0xa3: {  	p0 =	sne.s32 s2, $0x0;
	[sflag:s31] =	ssyncpa.u1 $0x1  }
0xa4: {  	s0 =	simm.s32 @p0 $0x1;
	_ =	sfence @p0  }
0xa5: {  	[sflag:s0] =	ssyncpa.u1 @p0 $0x1;
	s0 =	simm.s32 @p0 $0x2  }
0xa6: {  	[sflag:s0] =	ssyncpa.u1 @p0 $0x1  }
0xa7: {  	_ =	strace @p0 $0x90000047  }
0xa8: {  	[bflag:$0x2] =	sbarrier.arrive @p0 $0xFFFF  }
0xa9: {  	_ =	shalt @p0  }
.LBB2_5:
0xaa: {  	_ =	sfence.stream.spmem;
	s0 =	simm.s32 $0x5  }
0xab: {  	s2 =	simm.s32 $0x80;
	s3 =	simm.s32 $0xC0;
	[sflag:s0] =	ssyncpa.u1 $0x0  }
0xac: {  	[tilespmem:s3], [sflag:$0x5] =	stream.linear.gather [spmem:s2], $0x4, $0x38;
	[tilespmem:$0x1B0] =	vst v63  }
0xad: {  	s2 =	simm.s32 $0x0;
	s3 =	simm.s32 $0xE0  }
0xae: {  	[tilespmem:s3], [sflag:$0x5] =	stream.linear.gather [spmem:s2], $0x4, $0x38;
	[tilespmem:$0x1B0] =	vst v63  }
.Ltmp4:
0xaf: {  	_ = 	snop;
	(pc) =	sbr.rel .LBB2_6-.Ltmp4, $4  }
0xb0: {  	_ =	swait.ge [sflag:s0], $0x8  }
0xb1: {  	[sflag:s0] =	ssyncset.done $0x0  }
0xb2: {  	s31 =	simm.s32 $0x6;
	[sflag:s0] =	ssyncadd.s32 $0xFFFFFFF8  }
0xb3: {  	s4 =	simm.s32 $0x0;
	[sflag:s31] =	ssyncpa.u1 $0x0  }
.LBB2_11:
0xb4: {  	p0 =	sgt.u32 s5, $0x7F  }
0xb5: {  	s0 =	sshrl.u32 @!p0 s5, $0x3  }
0xb6: {  	s5 =	sand.u32 @!p0 $0x7, s5;
	s6 =	simm.s32 @!p0 $0xB0;
	s0 =	sadd.s32 @!p0 s1, s0  }
0xb7: {  	[tilespmem:s6], [sflag:$0x6] =	stream.linear.gather @!p0 [hbm4b:s0+s5], $0x1, $0x38;
	[tilespmem:$0x1B0] =	vst v63  }
0xb8: {  	s0 =	simm.s32 @!p0 $0x6  }
0xb9: {  	_ =	swait.ge @!p0 [sflag:s0], $0x1  }
0xba: {  	[sflag:s0] =	ssyncset.done @!p0 $0x0  }
0xbb: {  	[sflag:s0] =	ssyncadd.s32 @!p0 $0xFFFFFFFF  }
0xbc: {  	v2 =	vmov @!p0 s4;
	v1 =	vld.msk @!p0 [tilespmem:$0xB0], $0x1;
	_ =	sdelay $0x3  }
0xbd: {  	s0 =	simm.s32 @!p0 $0xE0  }
0xbe: {  	[tilespmem:v2+s0+$0x0], v1 =	vst.idx.ret.add.f32.msk @!p0 $0x1, v1  }
0xbf: {  	[tilespmem:s2+$0xC0] =	vst.msk $0x1, v0  }
0xc0: {  	v0 =	vld.msk [tilespmem:s4+$0xE0], $0x1;
	_ =	sdelay $0x4  }
0xc1: {  	[tilespmem:s2+$0xE0] =	vst.msk $0x1, v0;
	s2 =	sadd.s32 $0x1, s2  }
.LBB2_13:
0xc2: {  	s4 =	sadd.s32 $0x1, s4  }
0xc3: {  	p0 =	sne.s32 s4, $0x4  }
.Ltmp5:
0xc4: {  	_ = 	snop;
	(pc) =	sbr.rel @!p0 .LBB2_14-.Ltmp5, $1  }
0xc5: {  	_ =	sdelay $0x3  }
.LBB2_6:
0xc6: {  	v0 =	vld.msk [tilespmem:s4+$0xC0], $0x1;
	_ =	sdelay $0x4  }
0xc7: {  	(v2sf) =	vpush v0, $0x0;
	_ =	sdelay $0xe  }
0xc8: {  	s5 =	spop (v2sf)  }
0xc9: {  	p0 =	seq.s32 s5, $0xFFFFFFFF  }
.Ltmp6:
0xca: {  	_ = 	snop;
	(pc) =	sbr.rel @p0 .LBB2_13-.Ltmp6, $1  }
0xcb: {  	_ =	sdelay $0x3  }
0xcc: {  	p0 =	slt.s32 s2, $0x1  }
.Ltmp7:
0xcd: {  	_ = 	snop;
	(pc) =	sbr.rel @p0 .LBB2_11-.Ltmp7, $1  }
0xce: {  	_ =	sdelay $0x3  }
0xcf: {  	s6 =	simm.s32 $0xC0;
	p0 =	por $0x0, $0x0  }
0xd0: {  	v1 =	vld.msk @!p0 [tilespmem:s6+$0x0], $0x1;
	_ =	sdelay $0x4  }
0xd1: {  	(v2sf) =	vpush @!p0 v1, $0x0;
	_ =	sdelay $0xd  }
0xd2: {  	p2 =	sne.s32 s2, $0x1  }
.Ltmp8:
0xd3: {  	s0 =	spop @!p0 (v2sf);
	(pc) =	sbr.rel @!p2 .LBB2_10-.Ltmp8, $4  }
0xd4: {  	p1 =	seq.s32 @!p0 s5, s0  }
0xd5: {  	s7 =	simm.s32 $0x0;
	p1 =	por !p1, p0  }
0xd6: {  	s0 =	simm.s32 $0xFFFFFFFF;
	s7 =	simm.s32 @p1 $0xFFFFFFFF  }
0xd7: {  	s8 =	simm.s32 $0x1;
	s7 =	smov.u32 @p0 s0  }
.LBB2_9:
0xd8: {  	s0 =	smov.u32 s7;
	p0 =	sne.s32 s7, $0xFFFFFFFF  }
0xd9: {  	s6 =	sadd.s32 $0x1, s6;
	s7 =	smov.u32 s8;
	s8 =	sadd.s32 $0x1, s8  }
0xda: {  	p1 =	sne.s32 s2, s8;
	v1 =	vld.msk @!p0 [tilespmem:s6+$0x0], $0x1;
	_ =	sdelay $0x4  }
0xdb: {  	(v2sf) =	vpush @!p0 v1, $0x0;
	_ =	sdelay $0xe  }
.Ltmp9:
0xdc: {  	s9 =	spop @!p0 (v2sf);
	(pc) =	sbr.rel @p1 .LBB2_9-.Ltmp9, $4  }
0xdd: {  	p2 =	seq.s32 @!p0 s5, s9  }
0xde: {  	p2 =	por !p2, p0  }
0xdf: {  	s7 =	simm.s32 @p2 $0xFFFFFFFF  }
0xe0: {  	s7 =	smov.u32 @p0 s0  }
.LBB2_10:
0xe1: {  	p0 =	sne.s32 s7, $0xFFFFFFFF  }
.Ltmp10:
0xe2: {  	_ = 	snop;
	(pc) =	sbr.rel @!p0 .LBB2_11-.Ltmp10, $1  }
0xe3: {  	_ =	sdelay $0x3  }
0xe4: {  	v0 =	vld.msk [tilespmem:s4+$0xE0], $0x1;
	v1 =	vmov s7  }
.Ltmp11:
0xe5: {  	_ = 	snop;
	(pc) =	sbr.rel .LBB2_13-.Ltmp11, $2  }
0xe6: {  	_ =	sdelay $0x2  }
0xe7: {  	[tilespmem:v1+s3+$0x0], v0 =	vst.idx.ret.add.f32.msk $0x1, v0  }
.LBB2_14:
0xe8: {  	p0 =	slt.s32 s2, $0x1  }
.Ltmp12:
0xe9: {  	_ = 	snop;
	(pc) =	sbr.rel @p0 .LBB2_18-.Ltmp12, $3  }
0xea: {  	_ =	sdelay $0x1  }
0xeb: {  	s0 =	simm.s32 $0x6  }
0xec: {  	s3 =	simm.s32 $0x0;
	[sflag:s0] =	ssyncpa.u1 $0x1  }
0xed: {  	s0 =	simm.s32 $0xC0  }
0xee: {  	v0 =	vld.msk [tilespmem:s0+$0x0], $0x1;
	_ =	sdelay $0x4  }
0xef: {  	(v2sf) =	vpush v0, $0x0;
	_ =	sdelay $0xd  }
0xf0: {  	s2 =	sadd.s32 $0xFFFFFFFF, s2  }
0xf1: {  	p1 =	sne.s32 s2, $0x0;
	s0 =	spop (v2sf)  }
.Ltmp13:
0xf2: {  	p0 =	sgt.u32 s0, $0x7F;
	(pc) =	sbr.rel @!p1 .LBB2_17-.Ltmp13, $4  }
0xf3: {  	s4 =	simm.s32 $0xE0;
	s5 =	sshrl.u32 @!p0 s0, $0x3  }
0xf4: {  	s6 =	simm.s32 $0x0;
	s0 =	sand.u32 @!p0 $0x7, s0;
	s5 =	sadd.s32 @!p0 s1, s5  }
0xf5: {  	[hbm4b:s5+s0] =	stream.linear.scatter @!p0 [tilespmem:s4], [sflag:$0x5], $0x1, $0x38;
	[tilespmem:$0x1B0] =	vst v63  }
0xf6: {  	s6 =	simm.s32 @!p0 $0x4;
	s5 =	simm.s32 $0xC1  }
.LBB2_16:
0xf7: {  	v0 =	vld.msk [tilespmem:s5+$0x0], $0x1;
	s2 =	sadd.s32 $0xFFFFFFFF, s2;
	s3 =	sadd.s32 s3, s6  }
0xf8: {  	p0 =	sne.s32 s2, $0x0;
	_ =	sdelay $0x3  }
0xf9: {  	(v2sf) =	vpush v0, $0x0;
	_ =	sdelay $0xe  }
.Ltmp14:
0xfa: {  	s0 =	spop (v2sf);
	(pc) =	sbr.rel @p0 .LBB2_16-.Ltmp14, $4  }
0xfb: {  	s6 =	simm.s32 $0x0;
	p1 =	sgt.u32 s0, $0x7F  }
0xfc: {  	s4 =	sadd.s32 $0x1, s4;
	s6 =	simm.s32 @!p1 $0x4;
	s7 =	sshrl.u32 @!p1 s0, $0x3  }
0xfd: {  	s5 =	sadd.s32 $0x1, s5;
	s0 =	sand.u32 @!p1 $0x7, s0;
	s7 =	sadd.s32 @!p1 s1, s7  }
0xfe: {  	[hbm4b:s7+s0] =	stream.linear.scatter @!p1 [tilespmem:s4], [sflag:$0x5], $0x1, $0x38;
	[tilespmem:$0x1B0] =	vst v63  }
.LBB2_17:
0xff: {  	s0 =	sadd.s32 s3, s6  }
0x100: {  	s3 =	sshrl.u32 s0, $0x2  }
.LBB2_18:
0x101: {  	s0 =	simm.s32 $0x5  }
0x102: {  	_ =	swait.ge [sflag:s0], s3  }
0x103: {  	s1 =	ssub.s32 $0x0, s3;
	[sflag:s0] =	ssyncset.done $0x0  }
0x104: {  	[sflag:s0] =	ssyncadd.s32 s1  }
0x105: {  	[sflag:s0] =	ssyncpa.u1 $0x1  }
0x106: {  	s29 =	simm.s32 $0x1;
	_ =	sfence  }
0x107: {  	s30 =	simm.s32 $0x2;
	[sflag:s29] =	ssyncpa.u1 $0x1  }
0x108: {  	[sflag:s30] =	ssyncpa.u1 $0x1  }
0x109: {  	_ =	strace $0x90000047  }
0x10a: {  	[bflag:$0x2] =	sbarrier.arrive $0xFFFF  }
0x10b: {  	s31 =	rddreg [dreg:$0x2]  }
0x10c: {  	s0 =	sadd.s32 $0x100000, s31  }
0x10d: {  	[sflag:s0] =	ssyncadd.tile.s32 $0x1;
	_ =	shalt  }
.Lfunc_end2:
_tile_overlayer_lowered:
.L_overlay_start_2:
0x10e: {  	(tag) =	ssettag $0x2  }
0x10f: {  	s0 =	rddreg [dreg:$0x0];
	s2 =	stileid.u32  }
0x110: {  	s1 =	rddreg [dreg:$0x1];
	p0 =	sne.s32 s2, $0x0  }
0x111: {  	s3 =	rddreg [dreg:$0x2];
	[bflag:$0x3] =	sbarrier.arrive $0xFFFF;
	s2 =	simm.s32 @!p0 $0x1C01  }
0x112: {  	[timem:s3], [sflag:s2] =	dma.local @!p0 [hbm:s0], s1  }
0x113: {  	s0 =	simm.s32 @!p0 $0x1  }
0x114: {  	_ =	swait.ge @!p0 [sflag:s0], s1  }
0x115: {  	s1 =	ssub.s32 @!p0 $0x0, s1;
	[sflag:s0] =	ssyncset.done @!p0 $0x0  }
0x116: {  	[sflag:s0] =	ssyncadd.s32 @!p0 s1  }
0x117: {  	[bflag:$0x3] =	sbarrier.arrive $0xFFFF  }
0x118: {  	_ =	shalt  }

</sc_bundles>
